<compile_context>
chip_gen: v7x
topology: tpu7x:2x2x1
jax: 0.10.2.dev20260603
libtpu: 0.0.44.dev20260713+nightly
codegen_flags: <defaults>
</compile_context>

<pallas_src>
import functools

import jax
import jax.numpy as jnp
from jax import lax
from jax.experimental import pallas as pl
from jax.experimental.pallas import tpu as pltpu
from jax.experimental.pallas import tpu_sc as plsc

ALPHA = 0.5

NC = 2
NS = 16
CH = 128
N_PAD = 10240
RPT = N_PAD // NS
ZR = 32
KB = 4

_MESH = plsc.VectorSubcoreMesh(
    core_axis_name="c", subcore_axis_name="s", num_cores=NC, num_subcores=NS)


def _zero_fill_1d(ref, n):
  def body(i, _):
    ref[pl.ds(i * 16, 16)] = jnp.zeros((16,), jnp.float32)
    return 0
  lax.fori_loop(0, n // 16, body, 0)


def _zero_fill_2d(ref, rows, cols):
  def body(i, _):
    def inner(j, _):
      ref[i, pl.ds(j * 16, 16)] = jnp.zeros((16,), jnp.float32)
      return 0
    lax.fori_loop(0, cols // 16, inner, 0)
    return 0
  lax.fori_loop(0, rows, body, 0)


def _deg_body(kch, idx_hbm, deg_hbm, idx_v, ones_v, zb_v, deg_sh):
  cid = lax.axis_index("c")
  sid = lax.axis_index("s")
  def ones_body(i, _):
    ones_v[pl.ds(i * 16, 16)] = jnp.ones((16,), jnp.float32)
    return 0
  lax.fori_loop(0, CH // 16, ones_body, 0)
  _zero_fill_1d(zb_v, RPT)
  pltpu.sync_copy(zb_v, deg_sh.at[pl.ds(sid * RPT, RPT)])
  plsc.subcore_barrier()
  pltpu.sync_copy(idx_hbm.at[cid, sid], idx_v)
  def body(j, _):
    pltpu.sync_copy(ones_v, deg_sh.at[idx_v.at[j]], add=True)
    return 0
  lax.fori_loop(0, kch, body, 0)
  plsc.subcore_barrier()
  pltpu.sync_copy(deg_sh.at[pl.ds(sid * RPT, RPT)],
                  deg_hbm.at[cid, pl.ds(sid * RPT, RPT)])


def _agg_body(kch, d, sidx_hbm, didx_hbm, y_hbm, acc_hbm,
              sidx_v, didx_v, buf_v, zb_v, acc_sh, sem):
  cid = lax.axis_index("c")
  sid = lax.axis_index("s")
  _zero_fill_2d(zb_v, ZR, d)
  def zbody(t, _):
    pltpu.sync_copy(zb_v, acc_sh.at[pl.ds(sid * RPT + t * ZR, ZR)])
    return 0
  lax.fori_loop(0, RPT // ZR, zbody, 0)
  plsc.subcore_barrier()
  hch = kch // 2
  for h in range(2):
    pltpu.sync_copy(sidx_hbm.at[cid, sid, h], sidx_v)
    pltpu.sync_copy(didx_hbm.at[cid, sid, h], didx_v)
    def body(j, _):
      pltpu.async_copy(y_hbm.at[sidx_v.at[j]], buf_v, sem).wait()
      pltpu.sync_copy(buf_v, acc_sh.at[didx_v.at[j]], add=True)
      return 0
    lax.fori_loop(0, hch, body, 0)
  plsc.subcore_barrier()
  pltpu.sync_copy(acc_sh.at[pl.ds(sid * RPT, RPT)],
                  acc_hbm.at[pl.ds(cid * N_PAD + sid * RPT, RPT)])


def _prep_body(x_ref, wsd_ref, wds_ref, od_ref, id_ref,
               y_ref, oinv_ref, iinv_ref):
  x = x_ref[...]
  od = od_ref[...]
  idg = id_ref[...]
  oinv = jnp.where(od > 0, lax.rsqrt(od), 0.0)
  iinv = jnp.where(idg > 0, lax.rsqrt(idg), 0.0)
  dn = (((1,), (1,)), ((), ()))
  y_ref[0] = (1.0 - ALPHA) * iinv * lax.dot_general(
      x, wsd_ref[...], dn, precision=lax.Precision.HIGHEST,
      preferred_element_type=jnp.float32)
  y_ref[1] = ALPHA * oinv * lax.dot_general(
      x, wds_ref[...], dn, precision=lax.Precision.HIGHEST,
      preferred_element_type=jnp.float32)
  oinv_ref[...] = oinv
  iinv_ref[...] = iinv


def _final_body(acc_ref, oinv_ref, iinv_ref, bsd_ref, bds_ref, out_ref):
  b = (1.0 - ALPHA) * bsd_ref[...] + ALPHA * bds_ref[...]
  out_ref[...] = (oinv_ref[...] * acc_ref[0]
                  + iinv_ref[...] * acc_ref[1]
                  + b[None, :])


def kernel(x, edge_index, W_sd, b_sd, W_ds, b_ds):
  n, d = x.shape
  e = edge_index.shape[1]
  kch = 2 * ((e + NS * CH * 2 - 1) // (NS * CH * 2))
  epw = CH * kch
  e_pad = NS * epw

  row = edge_index[0].astype(jnp.int32)
  col = edge_index[1].astype(jnp.int32)
  pad = jnp.full((e_pad - e,), N_PAD - 1, jnp.int32)
  row_p = jnp.concatenate([row, pad])
  col_p = jnp.concatenate([col, pad])
  dst_idx = jnp.stack([row_p, col_p]).reshape(NC, NS, kch, CH)
  src_idx = jnp.stack([col_p, row_p + N_PAD]).reshape(NC, NS, kch, CH)

  x_pad = jnp.pad(x, ((0, N_PAD - n), (0, 0)))

  deg_call = pl.kernel(
      functools.partial(_deg_body, kch),
      out_type=jax.ShapeDtypeStruct((NC, N_PAD), jnp.float32),
      mesh=_MESH,
      scratch_types=[
          pltpu.VMEM((kch, CH), jnp.int32),
          pltpu.VMEM((CH,), jnp.float32),
          pltpu.VMEM((RPT,), jnp.float32),
          pltpu.VMEM_SHARED((N_PAD,), jnp.float32),
      ],
  )
  deg = deg_call(dst_idx)

  bn = 1024
  grid = (N_PAD // bn,)
  deg3 = deg.reshape(NC, N_PAD, 1)
  y3, oinv, iinv = pl.pallas_call(
      _prep_body,
      grid=grid,
      in_specs=[
          pl.BlockSpec((bn, d), lambda i: (i, 0)),
          pl.BlockSpec((d, d), lambda i: (0, 0)),
          pl.BlockSpec((d, d), lambda i: (0, 0)),
          pl.BlockSpec((bn, 1), lambda i: (i, 0)),
          pl.BlockSpec((bn, 1), lambda i: (i, 0)),
      ],
      out_specs=[
          pl.BlockSpec((NC, bn, d), lambda i: (0, i, 0)),
          pl.BlockSpec((bn, 1), lambda i: (i, 0)),
          pl.BlockSpec((bn, 1), lambda i: (i, 0)),
      ],
      out_shape=[
          jax.ShapeDtypeStruct((NC, N_PAD, d), jnp.float32),
          jax.ShapeDtypeStruct((N_PAD, 1), jnp.float32),
          jax.ShapeDtypeStruct((N_PAD, 1), jnp.float32),
      ],
  )(x_pad, W_sd, W_ds, deg3[0], deg3[1])
  y_cat = y3.reshape(NC * N_PAD, d)

  agg_call = pl.kernel(
      functools.partial(_agg_body, kch, d),
      out_type=jax.ShapeDtypeStruct((NC * N_PAD, d), jnp.float32),
      mesh=_MESH,
      compiler_params=pltpu.CompilerParams(use_tc_tiling_on_sc=False),
      scratch_types=[
          pltpu.VMEM((kch // 2, CH), jnp.int32),
          pltpu.VMEM((kch // 2, CH), jnp.int32),
          pltpu.VMEM((CH, d), jnp.float32),
          pltpu.VMEM((ZR, d), jnp.float32),
          pltpu.VMEM_SHARED((N_PAD, d), jnp.float32),
          pltpu.SemaphoreType.DMA,
      ],
  )
  acc = agg_call(src_idx.reshape(NC, NS, 2, kch // 2, CH),
                 dst_idx.reshape(NC, NS, 2, kch // 2, CH),
                 y_cat).reshape(NC, N_PAD, d)

  out_pad = pl.pallas_call(
      _final_body,
      grid=grid,
      in_specs=[
          pl.BlockSpec((NC, bn, d), lambda i: (0, i, 0)),
          pl.BlockSpec((bn, 1), lambda i: (i, 0)),
          pl.BlockSpec((bn, 1), lambda i: (i, 0)),
          pl.BlockSpec((d,), lambda i: (0,)),
          pl.BlockSpec((d,), lambda i: (0,)),
      ],
      out_specs=pl.BlockSpec((bn, d), lambda i: (i, 0)),
      out_shape=jax.ShapeDtypeStruct((N_PAD, d), jnp.float32),
  )(acc, oinv, iinv, b_sd, b_ds)

  return out_pad[:n]

# --- scband reference (transcript-rebuilt; emitter-appended) ---
"""Pipeline reference for scband-dir-gcnconv-62723702391593 (READ-ONLY COPY).

The authoritative reference and input builder live on the scoring server;
editing this copy changes nothing except your own understanding.
"""

import jax, jax.numpy as jnp
import numpy as np

N = 10000
E = 320000
D = 128
ALPHA = 0.5

def setup_inputs(seed: int = 0) -> dict:
    key = jax.random.key(seed)
    k1, k2, k3, k4, k5, k6 = jax.random.split(key, 6)
    x = jax.random.normal(k1, (N, D), dtype=jnp.float32)
    edge_index = jax.random.randint(k2, (2, E), 0, N)
    s = 1.0 / np.sqrt(D)
    W_sd = jax.random.uniform(k3, (D, D), jnp.float32, -s, s)
    b_sd = jax.random.uniform(k4, (D,), jnp.float32, -s, s)
    W_ds = jax.random.uniform(k5, (D, D), jnp.float32, -s, s)
    b_ds = jax.random.uniform(k6, (D,), jnp.float32, -s, s)
    return {"x": x, "edge_index": edge_index, "W_sd": W_sd, "b_sd": b_sd, "W_ds": W_ds, "b_ds": b_ds}

def reference(x, edge_index, W_sd, b_sd, W_ds, b_ds):
    # adj[row, col] = 1 (coalesced duplicates sum naturally via edge-wise ops)
    row = edge_index[0]
    col = edge_index[1]
    n = x.shape[0]
    ones = jnp.ones(row.shape[0], dtype=x.dtype)
    # directed norm: D_out^{-1/2} A D_in^{-1/2}
    out_deg = jnp.zeros((n,), x.dtype).at[row].add(ones)
    in_deg = jnp.zeros((n,), x.dtype).at[col].add(ones)
    out_inv = jnp.where(out_deg > 0, out_deg ** -0.5, 0.0)
    in_inv = jnp.where(in_deg > 0, in_deg ** -0.5, 0.0)
    w = out_inv[row] * in_inv[col]  # per-edge norm weight (same for adj and adj^T)
    # adj_norm @ x : out[row] += w * x[col]
    agg_sd = jnp.zeros_like(x).at[row].add(w[:, None] * x[col])
    # adj_t_norm @ x : out[col] += w * x[row]
    agg_ds = jnp.zeros_like(x).at[col].add(w[:, None] * x[row])
    out = (1.0 - ALPHA) * (agg_sd @ W_sd.T + b_sd) + ALPHA * (agg_ds @ W_ds.T + b_ds)
    return out

if __name__ == "__main__":
    import jax
    _d = setup_inputs()
    print(jax.jit(kernel)(*tuple(_d.values())))

</pallas_src>

<mosaic_0001>
#map = affine_map<(d0, d1) -> (0, 0, 0, 0)>
#map1 = affine_map<(d0, d1) -> (0, 0)>
module attributes {stable_mosaic.version = 14 : i64} {
  func.func @_deg_body(%arg0: i32, %arg1: i32, %arg2: memref<2x16x158x128xi32, #tpu.memory_space<hbm>>, %arg3: memref<2x10240xf32, #tpu.memory_space<hbm>>, %arg4: memref<158x128xi32, #tpu.memory_space<vmem>>, %arg5: memref<128xf32, #tpu.memory_space<vmem>>, %arg6: memref<640xf32, #tpu.memory_space<vmem>>, %arg7: memref<10240xf32, #tpu.memory_space<vmem_shared>>) attributes {dimension_semantics = [#tpu.dimension_semantics<core_parallel>, #tpu.dimension_semantics<subcore_parallel>], iteration_bounds = array<i64: 2, 16>, scalar_prefetch = 0 : i64, scratch_operands = 4 : i64, tpu.core_type = #tpu.core_type<sc_vector_subcore>, window_params = [{transform_indices = #map}, {transform_indices = #map1}]} {
    %scan3A = arith.constant 0 : i32
    %scan3A_0 = arith.constant 0 : i32
    %scan3A_1 = arith.constant 8 : i32
    %scan3A_2 = arith.addi %scan3A_0, %scan3A_1 : i32
    %scan3A_3 = arith.constant 1 : i32
    %scan3A_4 = scf.for %scan3A_26 = %scan3A_0 to %scan3A_2 step %scan3A_3 iter_args(%scan3A_27 = %scan3A) -> (i32)  : i32 {
      %broadcast_in_dim3A = arith.constant 1.000000e+00 : f32
      %broadcast_in_dim3A_28 = vector.broadcast %broadcast_in_dim3A : f32 to vector<16xf32>
      %mul3A_29 = arith.constant 16 : i32
      %mul3A_30 = arith.muli %scan3A_26, %mul3A_29 : i32
      %swap3A = arith.index_cast %mul3A_30 : i32 to index
      %swap3A_31 = tpu.vector_load %arg5[%swap3A] {strides = array<i32>} : memref<128xf32, #tpu.memory_space<vmem>>, vector<16xf32>,
      %swap3A_32 = vector.shape_cast %swap3A_31 : vector<16xf32> to vector<16xf32>
      %swap3A_33 = vector.shape_cast %broadcast_in_dim3A_28 : vector<16xf32> to vector<16xf32>
      tpu.vector_store %arg5[%swap3A], %swap3A_33 {strides = array<i32>} : memref<128xf32, #tpu.memory_space<vmem>>, vector<16xf32>,
      %scan3A_34 = arith.constant 0 : i32
      scf.yield %scan3A_34 : i32
    }
    %scan3A_5 = arith.constant 8 : i32
    %scan3A_6 = arith.constant 0 : i32
    %scan3A_7 = arith.constant 0 : i32
    %scan3A_8 = arith.constant 40 : i32
    %scan3A_9 = arith.addi %scan3A_7, %scan3A_8 : i32
    %scan3A_10 = arith.constant 1 : i32
    %scan3A_11 = scf.for %scan3A_26 = %scan3A_7 to %scan3A_9 step %scan3A_10 iter_args(%scan3A_27 = %scan3A_6) -> (i32)  : i32 {
      %broadcast_in_dim3A = arith.constant 0.000000e+00 : f32
      %broadcast_in_dim3A_28 = vector.broadcast %broadcast_in_dim3A : f32 to vector<16xf32>
      %mul3A_29 = arith.constant 16 : i32
      %mul3A_30 = arith.muli %scan3A_26, %mul3A_29 : i32
      %swap3A = arith.index_cast %mul3A_30 : i32 to index
      %swap3A_31 = tpu.vector_load %arg6[%swap3A] {strides = array<i32>} : memref<640xf32, #tpu.memory_space<vmem>>, vector<16xf32>,
      %swap3A_32 = vector.shape_cast %swap3A_31 : vector<16xf32> to vector<16xf32>
      %swap3A_33 = vector.shape_cast %broadcast_in_dim3A_28 : vector<16xf32> to vector<16xf32>
      tpu.vector_store %arg6[%swap3A], %swap3A_33 {strides = array<i32>} : memref<640xf32, #tpu.memory_space<vmem>>, vector<16xf32>,
      %scan3A_34 = arith.constant 0 : i32
      scf.yield %scan3A_34 : i32
    }
    %scan3A_12 = arith.constant 40 : i32
    %mul3A = arith.constant 640 : i32
    %mul3A_13 = arith.muli %arg1, %mul3A : i32
    "tpu.region"() ({
      %run_scoped3A = tpu.sem_alloc : memref<!tpu.dma_semaphore, #tpu.memory_space<semaphore_mem>>
      %dma_start3A = tpu.memref_slice %arg7[%mul3A_13] : memref<10240xf32, #tpu.memory_space<vmem_shared>> -> memref<640xf32, #tpu.memory_space<vmem_shared>>
      %dma_start3A_26 = tpu.memref_slice %arg7[%mul3A_13] : memref<10240xf32, #tpu.memory_space<vmem_shared>> -> memref<640xf32, #tpu.memory_space<vmem_shared>>
      tpu.enqueue_dma source(%arg6 : memref<640xf32, #tpu.memory_space<vmem>>) target(%dma_start3A_26 : memref<640xf32, #tpu.memory_space<vmem_shared>>) target_semaphore(%run_scoped3A : memref<!tpu.dma_semaphore, #tpu.memory_space<semaphore_mem>>)
      %dma_wait3A = tpu.memref_slice %arg7[%mul3A_13] : memref<10240xf32, #tpu.memory_space<vmem_shared>> -> memref<640xf32, #tpu.memory_space<vmem_shared>>
      %dma_wait3A_27 = tpu.memref_slice %arg7[%mul3A_13] : memref<10240xf32, #tpu.memory_space<vmem_shared>> -> memref<640xf32, #tpu.memory_space<vmem_shared>>
      tpu.wait_dma2 semaphore(%run_scoped3A : memref<!tpu.dma_semaphore, #tpu.memory_space<semaphore_mem>>) src(%arg6 : memref<640xf32, #tpu.memory_space<vmem>>) dst(%dma_wait3A_27 : memref<640xf32, #tpu.memory_space<vmem_shared>>)
      tpu.yield
    }) : () -> ()
    %barrier3A = arith.constant 0 : index
    tpu.barrier barrier_id(%barrier3A)
    "tpu.region"() ({
      %run_scoped3A = tpu.sem_alloc : memref<!tpu.dma_semaphore, #tpu.memory_space<semaphore_mem>>
      %dma_start3A = arith.constant 0 : i32
      %dma_start3A_26 = arith.constant 0 : i32
      %dma_start3A_27 = tpu.memref_slice %arg2[%arg0, %arg1, %dma_start3A, %dma_start3A_26] : memref<2x16x158x128xi32, #tpu.memory_space<hbm>> -> memref<1x1x158x128xi32, #tpu.memory_space<hbm>>
      %dma_start3A_28 = tpu.memref_squeeze %dma_start3A_27 : memref<1x1x158x128xi32, #tpu.memory_space<hbm>> -> memref<158x128xi32, #tpu.memory_space<hbm>>
      %dma_start3A_29 = arith.constant 0 : i32
      %dma_start3A_30 = arith.constant 0 : i32
      %dma_start3A_31 = tpu.memref_slice %arg2[%arg0, %arg1, %dma_start3A_29, %dma_start3A_30] : memref<2x16x158x128xi32, #tpu.memory_space<hbm>> -> memref<1x1x158x128xi32, #tpu.memory_space<hbm>>
      %dma_start3A_32 = tpu.memref_squeeze %dma_start3A_31 : memref<1x1x158x128xi32, #tpu.memory_space<hbm>> -> memref<158x128xi32, #tpu.memory_space<hbm>>
      tpu.enqueue_dma source(%dma_start3A_32 : memref<158x128xi32, #tpu.memory_space<hbm>>) target(%arg4 : memref<158x128xi32, #tpu.memory_space<vmem>>) target_semaphore(%run_scoped3A : memref<!tpu.dma_semaphore, #tpu.memory_space<semaphore_mem>>)
      %dma_wait3A = arith.constant 0 : i32
      %dma_wait3A_33 = arith.constant 0 : i32
      %dma_wait3A_34 = tpu.memref_slice %arg2[%arg0, %arg1, %dma_wait3A, %dma_wait3A_33] : memref<2x16x158x128xi32, #tpu.memory_space<hbm>> -> memref<1x1x158x128xi32, #tpu.memory_space<hbm>>
      %dma_wait3A_35 = tpu.memref_squeeze %dma_wait3A_34 : memref<1x1x158x128xi32, #tpu.memory_space<hbm>> -> memref<158x128xi32, #tpu.memory_space<hbm>>
      %dma_wait3A_36 = arith.constant 0 : i32
      %dma_wait3A_37 = arith.constant 0 : i32
      %dma_wait3A_38 = tpu.memref_slice %arg2[%arg0, %arg1, %dma_wait3A_36, %dma_wait3A_37] : memref<2x16x158x128xi32, #tpu.memory_space<hbm>> -> memref<1x1x158x128xi32, #tpu.memory_space<hbm>>
      %dma_wait3A_39 = tpu.memref_squeeze %dma_wait3A_38 : memref<1x1x158x128xi32, #tpu.memory_space<hbm>> -> memref<158x128xi32, #tpu.memory_space<hbm>>
      tpu.wait_dma2 semaphore(%run_scoped3A : memref<!tpu.dma_semaphore, #tpu.memory_space<semaphore_mem>>) src(%dma_wait3A_39 : memref<158x128xi32, #tpu.memory_space<hbm>>) dst(%arg4 : memref<158x128xi32, #tpu.memory_space<vmem>>)
      tpu.yield
    }) : () -> ()
    %scan3A_14 = arith.constant 0 : i32
    %scan3A_15 = arith.constant 0 : i32
    %scan3A_16 = arith.constant 158 : i32
    %scan3A_17 = arith.addi %scan3A_15, %scan3A_16 : i32
    %scan3A_18 = arith.constant 1 : i32
    %scan3A_19 = scf.for %scan3A_26 = %scan3A_15 to %scan3A_17 step %scan3A_18 iter_args(%scan3A_27 = %scan3A_14) -> (i32)  : i32 {
      "tpu.region"() ({
        %run_scoped3A = tpu.sem_alloc : memref<!tpu.dma_semaphore, #tpu.memory_space<semaphore_mem>>
        %dma_start3A = arith.constant 0 : i32
        %dma_start3A_29 = tpu.memref_slice %arg4[%scan3A_26, %dma_start3A] : memref<158x128xi32, #tpu.memory_space<vmem>> -> memref<1x128xi32, #tpu.memory_space<vmem>>
        %dma_start3A_30 = tpu.memref_squeeze %dma_start3A_29 : memref<1x128xi32, #tpu.memory_space<vmem>> -> memref<128xi32, #tpu.memory_space<vmem>>
        %dma_start3A_31 = arith.constant 0 : i32
        %dma_start3A_32 = tpu.memref_slice %arg7[%dma_start3A_31] : memref<10240xf32, #tpu.memory_space<vmem_shared>> -> memref<10240xf32, #tpu.memory_space<vmem_shared>>
        tpu.enqueue_indirect_dma source(%arg5 : memref<128xf32, #tpu.memory_space<vmem>>) target(%dma_start3A_32 : memref<10240xf32, #tpu.memory_space<vmem_shared>>) offsets(%dma_start3A_30 : memref<128xi32, #tpu.memory_space<vmem>>) semaphore(%run_scoped3A : memref<!tpu.dma_semaphore, #tpu.memory_space<semaphore_mem>>) {add = true}
        %dma_wait3A = arith.constant 0 : i32
        %dma_wait3A_33 = tpu.memref_slice %arg4[%scan3A_26, %dma_wait3A] : memref<158x128xi32, #tpu.memory_space<vmem>> -> memref<1x128xi32, #tpu.memory_space<vmem>>
        %dma_wait3A_34 = tpu.memref_squeeze %dma_wait3A_33 : memref<1x128xi32, #tpu.memory_space<vmem>> -> memref<128xi32, #tpu.memory_space<vmem>>
        %dma_wait3A_35 = arith.constant 0 : i32
        %dma_wait3A_36 = tpu.memref_slice %arg7[%dma_wait3A_35] : memref<10240xf32, #tpu.memory_space<vmem_shared>> -> memref<10240xf32, #tpu.memory_space<vmem_shared>>
        tpu.wait_indirect_dma semaphore(%run_scoped3A : memref<!tpu.dma_semaphore, #tpu.memory_space<semaphore_mem>>) src(%arg5 : memref<128xf32, #tpu.memory_space<vmem>>) dst(%dma_wait3A_36 : memref<10240xf32, #tpu.memory_space<vmem_shared>>)
        tpu.yield
      }) : () -> ()
      %scan3A_28 = arith.constant 0 : i32
      scf.yield %scan3A_28 : i32
    }
    %scan3A_20 = arith.constant 158 : i32
    %barrier3A_21 = arith.constant 0 : index
    tpu.barrier barrier_id(%barrier3A_21)
    %mul3A_22 = arith.constant 640 : i32
    %mul3A_23 = arith.muli %arg1, %mul3A_22 : i32
    %mul3A_24 = arith.constant 640 : i32
    %mul3A_25 = arith.muli %arg1, %mul3A_24 : i32
    "tpu.region"() ({
      %run_scoped3A = tpu.sem_alloc : memref<!tpu.dma_semaphore, #tpu.memory_space<semaphore_mem>>
      %dma_start3A = tpu.memref_slice %arg3[%arg0, %mul3A_25] : memref<2x10240xf32, #tpu.memory_space<hbm>> -> memref<1x640xf32, #tpu.memory_space<hbm>>
      %dma_start3A_26 = tpu.memref_squeeze %dma_start3A : memref<1x640xf32, #tpu.memory_space<hbm>> -> memref<640xf32, #tpu.memory_space<hbm>>
      %dma_start3A_27 = tpu.memref_slice %arg7[%mul3A_23] : memref<10240xf32, #tpu.memory_space<vmem_shared>> -> memref<640xf32, #tpu.memory_space<vmem_shared>>
      tpu.enqueue_dma source(%dma_start3A_27 : memref<640xf32, #tpu.memory_space<vmem_shared>>) target(%dma_start3A_26 : memref<640xf32, #tpu.memory_space<hbm>>) target_semaphore(%run_scoped3A : memref<!tpu.dma_semaphore, #tpu.memory_space<semaphore_mem>>)
      %dma_wait3A = tpu.memref_slice %arg3[%arg0, %mul3A_25] : memref<2x10240xf32, #tpu.memory_space<hbm>> -> memref<1x640xf32, #tpu.memory_space<hbm>>
      %dma_wait3A_28 = tpu.memref_squeeze %dma_wait3A : memref<1x640xf32, #tpu.memory_space<hbm>> -> memref<640xf32, #tpu.memory_space<hbm>>
      %dma_wait3A_29 = tpu.memref_slice %arg7[%mul3A_23] : memref<10240xf32, #tpu.memory_space<vmem_shared>> -> memref<640xf32, #tpu.memory_space<vmem_shared>>
      tpu.wait_dma2 semaphore(%run_scoped3A : memref<!tpu.dma_semaphore, #tpu.memory_space<semaphore_mem>>) src(%dma_wait3A_29 : memref<640xf32, #tpu.memory_space<vmem_shared>>) dst(%dma_wait3A_28 : memref<640xf32, #tpu.memory_space<hbm>>)
      tpu.yield
    }) : () -> ()
    return
  }
}

#map = affine_map<(d0, d1) -> (0, 0, 0, 0, 0)>
#map1 = affine_map<(d0, d1) -> (0, 0)>
module attributes {stable_mosaic.version = 14 : i64} {
  func.func @_agg_body(%arg0: i32, %arg1: i32, %arg2: memref<2x16x2x79x128xi32, #tpu.memory_space<hbm>>, %arg3: memref<2x16x2x79x128xi32, #tpu.memory_space<hbm>>, %arg4: memref<20480x128xf32, #tpu.memory_space<hbm>>, %arg5: memref<20480x128xf32, #tpu.memory_space<hbm>>, %arg6: memref<79x128xi32, #tpu.memory_space<vmem>>, %arg7: memref<79x128xi32, #tpu.memory_space<vmem>>, %arg8: memref<128x128xf32, #tpu.memory_space<vmem>>, %arg9: memref<32x128xf32, #tpu.memory_space<vmem>>, %arg10: memref<10240x128xf32, #tpu.memory_space<vmem_shared>>, %arg11: memref<!tpu.dma_semaphore, #tpu.memory_space<semaphore_mem>>) attributes {dimension_semantics = [#tpu.dimension_semantics<core_parallel>, #tpu.dimension_semantics<subcore_parallel>], iteration_bounds = array<i64: 2, 16>, scalar_prefetch = 0 : i64, scratch_operands = 6 : i64, tpu.core_type = #tpu.core_type<sc_vector_subcore>, window_params = [{transform_indices = #map}, {transform_indices = #map}, {transform_indices = #map1}, {transform_indices = #map1}]} {
    %scan3A = arith.constant 0 : i32
    %scan3A_0 = arith.constant 0 : i32
    %scan3A_1 = arith.constant 32 : i32
    %scan3A_2 = arith.addi %scan3A_0, %scan3A_1 : i32
    %scan3A_3 = arith.constant 1 : i32
    %scan3A_4 = scf.for %scan3A_36 = %scan3A_0 to %scan3A_2 step %scan3A_3 iter_args(%scan3A_37 = %scan3A) -> (i32)  : i32 {
      %scan3A_38 = arith.constant 0 : i32
      %scan3A_39 = arith.constant 0 : i32
      %scan3A_40 = arith.constant 8 : i32
      %scan3A_41 = arith.addi %scan3A_39, %scan3A_40 : i32
      %scan3A_42 = arith.constant 1 : i32
      %scan3A_43 = scf.for %scan3A_46 = %scan3A_39 to %scan3A_41 step %scan3A_42 iter_args(%scan3A_47 = %scan3A_38) -> (i32)  : i32 {
        %broadcast_in_dim3A = arith.constant 0.000000e+00 : f32
        %broadcast_in_dim3A_48 = vector.broadcast %broadcast_in_dim3A : f32 to vector<16xf32>
        %mul3A_49 = arith.constant 16 : i32
        %mul3A_50 = arith.muli %scan3A_46, %mul3A_49 : i32
        %swap3A = arith.index_cast %scan3A_36 : i32 to index
        %swap3A_51 = arith.index_cast %mul3A_50 : i32 to index
        %swap3A_52 = tpu.vector_load %arg9[%swap3A, %swap3A_51] {strides = array<i32>} : memref<32x128xf32, #tpu.memory_space<vmem>>, vector<1x16xf32>,
        %swap3A_53 = vector.shape_cast %swap3A_52 : vector<1x16xf32> to vector<16xf32>
        %swap3A_54 = vector.shape_cast %broadcast_in_dim3A_48 : vector<16xf32> to vector<1x16xf32>
        tpu.vector_store %arg9[%swap3A, %swap3A_51], %swap3A_54 {strides = array<i32>} : memref<32x128xf32, #tpu.memory_space<vmem>>, vector<1x16xf32>,
        %scan3A_55 = arith.constant 0 : i32
        scf.yield %scan3A_55 : i32
      }
      %scan3A_44 = arith.constant 8 : i32
      %scan3A_45 = arith.constant 0 : i32
      scf.yield %scan3A_45 : i32
    }
    %scan3A_5 = arith.constant 32 : i32
    %scan3A_6 = arith.constant 0 : i32
    %scan3A_7 = arith.constant 0 : i32
    %scan3A_8 = arith.constant 20 : i32
    %scan3A_9 = arith.addi %scan3A_7, %scan3A_8 : i32
    %scan3A_10 = arith.constant 1 : i32
    %scan3A_11 = scf.for %scan3A_36 = %scan3A_7 to %scan3A_9 step %scan3A_10 iter_args(%scan3A_37 = %scan3A_6) -> (i32)  : i32 {
      %mul3A_38 = arith.constant 640 : i32
      %mul3A_39 = arith.muli %arg1, %mul3A_38 : i32
      %mul3A_40 = arith.constant 32 : i32
      %mul3A_41 = arith.muli %scan3A_36, %mul3A_40 : i32
      %add3A_42 = arith.addi %mul3A_39, %mul3A_41 : i32
      "tpu.region"() ({
        %run_scoped3A_44 = tpu.sem_alloc : memref<!tpu.dma_semaphore, #tpu.memory_space<semaphore_mem>>
        %dma_start3A = arith.constant 0 : i32
        %dma_start3A_45 = tpu.memref_slice %arg10[%add3A_42, %dma_start3A] : memref<10240x128xf32, #tpu.memory_space<vmem_shared>> -> memref<32x128xf32, #tpu.memory_space<vmem_shared>>
        %dma_start3A_46 = arith.constant 0 : i32
        %dma_start3A_47 = tpu.memref_slice %arg10[%add3A_42, %dma_start3A_46] : memref<10240x128xf32, #tpu.memory_space<vmem_shared>> -> memref<32x128xf32, #tpu.memory_space<vmem_shared>>
        tpu.enqueue_dma source(%arg9 : memref<32x128xf32, #tpu.memory_space<vmem>>) target(%dma_start3A_47 : memref<32x128xf32, #tpu.memory_space<vmem_shared>>) target_semaphore(%run_scoped3A_44 : memref<!tpu.dma_semaphore, #tpu.memory_space<semaphore_mem>>)
        %dma_wait3A = arith.constant 0 : i32
        %dma_wait3A_48 = tpu.memref_slice %arg10[%add3A_42, %dma_wait3A] : memref<10240x128xf32, #tpu.memory_space<vmem_shared>> -> memref<32x128xf32, #tpu.memory_space<vmem_shared>>
        %dma_wait3A_49 = arith.constant 0 : i32
        %dma_wait3A_50 = tpu.memref_slice %arg10[%add3A_42, %dma_wait3A_49] : memref<10240x128xf32, #tpu.memory_space<vmem_shared>> -> memref<32x128xf32, #tpu.memory_space<vmem_shared>>
        tpu.wait_dma2 semaphore(%run_scoped3A_44 : memref<!tpu.dma_semaphore, #tpu.memory_space<semaphore_mem>>) src(%arg9 : memref<32x128xf32, #tpu.memory_space<vmem>>) dst(%dma_wait3A_50 : memref<32x128xf32, #tpu.memory_space<vmem_shared>>)
        tpu.yield
      }) : () -> ()
      %scan3A_43 = arith.constant 0 : i32
      scf.yield %scan3A_43 : i32
    }
    %scan3A_12 = arith.constant 20 : i32
    %barrier3A = arith.constant 0 : index
    tpu.barrier barrier_id(%barrier3A)
    %run_scoped3A = arith.constant 0 : i32
    "tpu.region"() ({
      %run_scoped3A_36 = tpu.sem_alloc : memref<!tpu.dma_semaphore, #tpu.memory_space<semaphore_mem>>
      %dma_start3A = arith.constant 0 : i32
      %dma_start3A_37 = arith.constant 0 : i32
      %dma_start3A_38 = tpu.memref_slice %arg2[%arg0, %arg1, %run_scoped3A, %dma_start3A, %dma_start3A_37] : memref<2x16x2x79x128xi32, #tpu.memory_space<hbm>> -> memref<1x1x1x79x128xi32, #tpu.memory_space<hbm>>
      %dma_start3A_39 = tpu.memref_squeeze %dma_start3A_38 : memref<1x1x1x79x128xi32, #tpu.memory_space<hbm>> -> memref<79x128xi32, #tpu.memory_space<hbm>>
      %dma_start3A_40 = arith.constant 0 : i32
      %dma_start3A_41 = arith.constant 0 : i32
      %dma_start3A_42 = tpu.memref_slice %arg2[%arg0, %arg1, %run_scoped3A, %dma_start3A_40, %dma_start3A_41] : memref<2x16x2x79x128xi32, #tpu.memory_space<hbm>> -> memref<1x1x1x79x128xi32, #tpu.memory_space<hbm>>
      %dma_start3A_43 = tpu.memref_squeeze %dma_start3A_42 : memref<1x1x1x79x128xi32, #tpu.memory_space<hbm>> -> memref<79x128xi32, #tpu.memory_space<hbm>>
      tpu.enqueue_dma source(%dma_start3A_43 : memref<79x128xi32, #tpu.memory_space<hbm>>) target(%arg6 : memref<79x128xi32, #tpu.memory_space<vmem>>) target_semaphore(%run_scoped3A_36 : memref<!tpu.dma_semaphore, #tpu.memory_space<semaphore_mem>>)
      %dma_wait3A = arith.constant 0 : i32
      %dma_wait3A_44 = arith.constant 0 : i32
      %dma_wait3A_45 = tpu.memref_slice %arg2[%arg0, %arg1, %run_scoped3A, %dma_wait3A, %dma_wait3A_44] : memref<2x16x2x79x128xi32, #tpu.memory_space<hbm>> -> memref<1x1x1x79x128xi32, #tpu.memory_space<hbm>>
      %dma_wait3A_46 = tpu.memref_squeeze %dma_wait3A_45 : memref<1x1x1x79x128xi32, #tpu.memory_space<hbm>> -> memref<79x128xi32, #tpu.memory_space<hbm>>
      %dma_wait3A_47 = arith.constant 0 : i32
      %dma_wait3A_48 = arith.constant 0 : i32
      %dma_wait3A_49 = tpu.memref_slice %arg2[%arg0, %arg1, %run_scoped3A, %dma_wait3A_47, %dma_wait3A_48] : memref<2x16x2x79x128xi32, #tpu.memory_space<hbm>> -> memref<1x1x1x79x128xi32, #tpu.memory_space<hbm>>
      %dma_wait3A_50 = tpu.memref_squeeze %dma_wait3A_49 : memref<1x1x1x79x128xi32, #tpu.memory_space<hbm>> -> memref<79x128xi32, #tpu.memory_space<hbm>>
      tpu.wait_dma2 semaphore(%run_scoped3A_36 : memref<!tpu.dma_semaphore, #tpu.memory_space<semaphore_mem>>) src(%dma_wait3A_50 : memref<79x128xi32, #tpu.memory_space<hbm>>) dst(%arg6 : memref<79x128xi32, #tpu.memory_space<vmem>>)
      tpu.yield
    }) : () -> ()
    %run_scoped3A_13 = arith.constant 0 : i32
    "tpu.region"() ({
      %run_scoped3A_36 = tpu.sem_alloc : memref<!tpu.dma_semaphore, #tpu.memory_space<semaphore_mem>>
      %dma_start3A = arith.constant 0 : i32
      %dma_start3A_37 = arith.constant 0 : i32
      %dma_start3A_38 = tpu.memref_slice %arg3[%arg0, %arg1, %run_scoped3A_13, %dma_start3A, %dma_start3A_37] : memref<2x16x2x79x128xi32, #tpu.memory_space<hbm>> -> memref<1x1x1x79x128xi32, #tpu.memory_space<hbm>>
      %dma_start3A_39 = tpu.memref_squeeze %dma_start3A_38 : memref<1x1x1x79x128xi32, #tpu.memory_space<hbm>> -> memref<79x128xi32, #tpu.memory_space<hbm>>
      %dma_start3A_40 = arith.constant 0 : i32
      %dma_start3A_41 = arith.constant 0 : i32
      %dma_start3A_42 = tpu.memref_slice %arg3[%arg0, %arg1, %run_scoped3A_13, %dma_start3A_40, %dma_start3A_41] : memref<2x16x2x79x128xi32, #tpu.memory_space<hbm>> -> memref<1x1x1x79x128xi32, #tpu.memory_space<hbm>>
      %dma_start3A_43 = tpu.memref_squeeze %dma_start3A_42 : memref<1x1x1x79x128xi32, #tpu.memory_space<hbm>> -> memref<79x128xi32, #tpu.memory_space<hbm>>
      tpu.enqueue_dma source(%dma_start3A_43 : memref<79x128xi32, #tpu.memory_space<hbm>>) target(%arg7 : memref<79x128xi32, #tpu.memory_space<vmem>>) target_semaphore(%run_scoped3A_36 : memref<!tpu.dma_semaphore, #tpu.memory_space<semaphore_mem>>)
      %dma_wait3A = arith.constant 0 : i32
      %dma_wait3A_44 = arith.constant 0 : i32
      %dma_wait3A_45 = tpu.memref_slice %arg3[%arg0, %arg1, %run_scoped3A_13, %dma_wait3A, %dma_wait3A_44] : memref<2x16x2x79x128xi32, #tpu.memory_space<hbm>> -> memref<1x1x1x79x128xi32, #tpu.memory_space<hbm>>
      %dma_wait3A_46 = tpu.memref_squeeze %dma_wait3A_45 : memref<1x1x1x79x128xi32, #tpu.memory_space<hbm>> -> memref<79x128xi32, #tpu.memory_space<hbm>>
      %dma_wait3A_47 = arith.constant 0 : i32
      %dma_wait3A_48 = arith.constant 0 : i32
      %dma_wait3A_49 = tpu.memref_slice %arg3[%arg0, %arg1, %run_scoped3A_13, %dma_wait3A_47, %dma_wait3A_48] : memref<2x16x2x79x128xi32, #tpu.memory_space<hbm>> -> memref<1x1x1x79x128xi32, #tpu.memory_space<hbm>>
      %dma_wait3A_50 = tpu.memref_squeeze %dma_wait3A_49 : memref<1x1x1x79x128xi32, #tpu.memory_space<hbm>> -> memref<79x128xi32, #tpu.memory_space<hbm>>
      tpu.wait_dma2 semaphore(%run_scoped3A_36 : memref<!tpu.dma_semaphore, #tpu.memory_space<semaphore_mem>>) src(%dma_wait3A_50 : memref<79x128xi32, #tpu.memory_space<hbm>>) dst(%arg7 : memref<79x128xi32, #tpu.memory_space<vmem>>)
      tpu.yield
    }) : () -> ()
    %scan3A_14 = arith.constant 0 : i32
    %scan3A_15 = arith.constant 0 : i32
    %scan3A_16 = arith.constant 79 : i32
    %scan3A_17 = arith.addi %scan3A_15, %scan3A_16 : i32
    %scan3A_18 = arith.constant 1 : i32
    %scan3A_19 = scf.for %scan3A_36 = %scan3A_15 to %scan3A_17 step %scan3A_18 iter_args(%scan3A_37 = %scan3A_14) -> (i32)  : i32 {
      %dma_start3A = arith.constant 0 : i32
      %dma_start3A_38 = tpu.memref_slice %arg6[%scan3A_36, %dma_start3A] : memref<79x128xi32, #tpu.memory_space<vmem>> -> memref<1x128xi32, #tpu.memory_space<vmem>>
      %dma_start3A_39 = tpu.memref_squeeze %dma_start3A_38 : memref<1x128xi32, #tpu.memory_space<vmem>> -> memref<128xi32, #tpu.memory_space<vmem>>
      %dma_start3A_40 = arith.constant 0 : i32
      %dma_start3A_41 = arith.constant 0 : i32
      %dma_start3A_42 = tpu.memref_slice %arg4[%dma_start3A_40, %dma_start3A_41] : memref<20480x128xf32, #tpu.memory_space<hbm>> -> memref<20480x128xf32, #tpu.memory_space<hbm>>
      tpu.enqueue_indirect_dma source(%dma_start3A_42 : memref<20480x128xf32, #tpu.memory_space<hbm>>) target(%arg8 : memref<128x128xf32, #tpu.memory_space<vmem>>) offsets(%dma_start3A_39 : memref<128xi32, #tpu.memory_space<vmem>>) semaphore(%arg11 : memref<!tpu.dma_semaphore, #tpu.memory_space<semaphore_mem>>)
      %dma_wait3A = arith.constant 0 : i32
      %dma_wait3A_43 = tpu.memref_slice %arg6[%scan3A_36, %dma_wait3A] : memref<79x128xi32, #tpu.memory_space<vmem>> -> memref<1x128xi32, #tpu.memory_space<vmem>>
      %dma_wait3A_44 = tpu.memref_squeeze %dma_wait3A_43 : memref<1x128xi32, #tpu.memory_space<vmem>> -> memref<128xi32, #tpu.memory_space<vmem>>
      %dma_wait3A_45 = arith.constant 0 : i32
      %dma_wait3A_46 = arith.constant 0 : i32
      %dma_wait3A_47 = tpu.memref_slice %arg4[%dma_wait3A_45, %dma_wait3A_46] : memref<20480x128xf32, #tpu.memory_space<hbm>> -> memref<20480x128xf32, #tpu.memory_space<hbm>>
      tpu.wait_indirect_dma semaphore(%arg11 : memref<!tpu.dma_semaphore, #tpu.memory_space<semaphore_mem>>) src(%dma_wait3A_47 : memref<20480x128xf32, #tpu.memory_space<hbm>>) dst(%arg8 : memref<128x128xf32, #tpu.memory_space<vmem>>)
      "tpu.region"() ({
        %run_scoped3A_49 = tpu.sem_alloc : memref<!tpu.dma_semaphore, #tpu.memory_space<semaphore_mem>>
        %dma_start3A_50 = arith.constant 0 : i32
        %dma_start3A_51 = tpu.memref_slice %arg7[%scan3A_36, %dma_start3A_50] : memref<79x128xi32, #tpu.memory_space<vmem>> -> memref<1x128xi32, #tpu.memory_space<vmem>>
        %dma_start3A_52 = tpu.memref_squeeze %dma_start3A_51 : memref<1x128xi32, #tpu.memory_space<vmem>> -> memref<128xi32, #tpu.memory_space<vmem>>
        %dma_start3A_53 = arith.constant 0 : i32
        %dma_start3A_54 = arith.constant 0 : i32
        %dma_start3A_55 = tpu.memref_slice %arg10[%dma_start3A_53, %dma_start3A_54] : memref<10240x128xf32, #tpu.memory_space<vmem_shared>> -> memref<10240x128xf32, #tpu.memory_space<vmem_shared>>
        tpu.enqueue_indirect_dma source(%arg8 : memref<128x128xf32, #tpu.memory_space<vmem>>) target(%dma_start3A_55 : memref<10240x128xf32, #tpu.memory_space<vmem_shared>>) offsets(%dma_start3A_52 : memref<128xi32, #tpu.memory_space<vmem>>) semaphore(%run_scoped3A_49 : memref<!tpu.dma_semaphore, #tpu.memory_space<semaphore_mem>>) {add = true}
        %dma_wait3A_56 = arith.constant 0 : i32
        %dma_wait3A_57 = tpu.memref_slice %arg7[%scan3A_36, %dma_wait3A_56] : memref<79x128xi32, #tpu.memory_space<vmem>> -> memref<1x128xi32, #tpu.memory_space<vmem>>
        %dma_wait3A_58 = tpu.memref_squeeze %dma_wait3A_57 : memref<1x128xi32, #tpu.memory_space<vmem>> -> memref<128xi32, #tpu.memory_space<vmem>>
        %dma_wait3A_59 = arith.constant 0 : i32
        %dma_wait3A_60 = arith.constant 0 : i32
        %dma_wait3A_61 = tpu.memref_slice %arg10[%dma_wait3A_59, %dma_wait3A_60] : memref<10240x128xf32, #tpu.memory_space<vmem_shared>> -> memref<10240x128xf32, #tpu.memory_space<vmem_shared>>
        tpu.wait_indirect_dma semaphore(%run_scoped3A_49 : memref<!tpu.dma_semaphore, #tpu.memory_space<semaphore_mem>>) src(%arg8 : memref<128x128xf32, #tpu.memory_space<vmem>>) dst(%dma_wait3A_61 : memref<10240x128xf32, #tpu.memory_space<vmem_shared>>)
        tpu.yield
      }) : () -> ()
      %scan3A_48 = arith.constant 0 : i32
      scf.yield %scan3A_48 : i32
    }
    %scan3A_20 = arith.constant 79 : i32
    %run_scoped3A_21 = arith.constant 1 : i32
    "tpu.region"() ({
      %run_scoped3A_36 = tpu.sem_alloc : memref<!tpu.dma_semaphore, #tpu.memory_space<semaphore_mem>>
      %dma_start3A = arith.constant 0 : i32
      %dma_start3A_37 = arith.constant 0 : i32
      %dma_start3A_38 = tpu.memref_slice %arg2[%arg0, %arg1, %run_scoped3A_21, %dma_start3A, %dma_start3A_37] : memref<2x16x2x79x128xi32, #tpu.memory_space<hbm>> -> memref<1x1x1x79x128xi32, #tpu.memory_space<hbm>>
      %dma_start3A_39 = tpu.memref_squeeze %dma_start3A_38 : memref<1x1x1x79x128xi32, #tpu.memory_space<hbm>> -> memref<79x128xi32, #tpu.memory_space<hbm>>
      %dma_start3A_40 = arith.constant 0 : i32
      %dma_start3A_41 = arith.constant 0 : i32
      %dma_start3A_42 = tpu.memref_slice %arg2[%arg0, %arg1, %run_scoped3A_21, %dma_start3A_40, %dma_start3A_41] : memref<2x16x2x79x128xi32, #tpu.memory_space<hbm>> -> memref<1x1x1x79x128xi32, #tpu.memory_space<hbm>>
      %dma_start3A_43 = tpu.memref_squeeze %dma_start3A_42 : memref<1x1x1x79x128xi32, #tpu.memory_space<hbm>> -> memref<79x128xi32, #tpu.memory_space<hbm>>
      tpu.enqueue_dma source(%dma_start3A_43 : memref<79x128xi32, #tpu.memory_space<hbm>>) target(%arg6 : memref<79x128xi32, #tpu.memory_space<vmem>>) target_semaphore(%run_scoped3A_36 : memref<!tpu.dma_semaphore, #tpu.memory_space<semaphore_mem>>)
      %dma_wait3A = arith.constant 0 : i32
      %dma_wait3A_44 = arith.constant 0 : i32
      %dma_wait3A_45 = tpu.memref_slice %arg2[%arg0, %arg1, %run_scoped3A_21, %dma_wait3A, %dma_wait3A_44] : memref<2x16x2x79x128xi32, #tpu.memory_space<hbm>> -> memref<1x1x1x79x128xi32, #tpu.memory_space<hbm>>
      %dma_wait3A_46 = tpu.memref_squeeze %dma_wait3A_45 : memref<1x1x1x79x128xi32, #tpu.memory_space<hbm>> -> memref<79x128xi32, #tpu.memory_space<hbm>>
      %dma_wait3A_47 = arith.constant 0 : i32
      %dma_wait3A_48 = arith.constant 0 : i32
      %dma_wait3A_49 = tpu.memref_slice %arg2[%arg0, %arg1, %run_scoped3A_21, %dma_wait3A_47, %dma_wait3A_48] : memref<2x16x2x79x128xi32, #tpu.memory_space<hbm>> -> memref<1x1x1x79x128xi32, #tpu.memory_space<hbm>>
      %dma_wait3A_50 = tpu.memref_squeeze %dma_wait3A_49 : memref<1x1x1x79x128xi32, #tpu.memory_space<hbm>> -> memref<79x128xi32, #tpu.memory_space<hbm>>
      tpu.wait_dma2 semaphore(%run_scoped3A_36 : memref<!tpu.dma_semaphore, #tpu.memory_space<semaphore_mem>>) src(%dma_wait3A_50 : memref<79x128xi32, #tpu.memory_space<hbm>>) dst(%arg6 : memref<79x128xi32, #tpu.memory_space<vmem>>)
      tpu.yield
    }) : () -> ()
    %run_scoped3A_22 = arith.constant 1 : i32
    "tpu.region"() ({
      %run_scoped3A_36 = tpu.sem_alloc : memref<!tpu.dma_semaphore, #tpu.memory_space<semaphore_mem>>
      %dma_start3A = arith.constant 0 : i32
      %dma_start3A_37 = arith.constant 0 : i32
      %dma_start3A_38 = tpu.memref_slice %arg3[%arg0, %arg1, %run_scoped3A_22, %dma_start3A, %dma_start3A_37] : memref<2x16x2x79x128xi32, #tpu.memory_space<hbm>> -> memref<1x1x1x79x128xi32, #tpu.memory_space<hbm>>
      %dma_start3A_39 = tpu.memref_squeeze %dma_start3A_38 : memref<1x1x1x79x128xi32, #tpu.memory_space<hbm>> -> memref<79x128xi32, #tpu.memory_space<hbm>>
      %dma_start3A_40 = arith.constant 0 : i32
      %dma_start3A_41 = arith.constant 0 : i32
      %dma_start3A_42 = tpu.memref_slice %arg3[%arg0, %arg1, %run_scoped3A_22, %dma_start3A_40, %dma_start3A_41] : memref<2x16x2x79x128xi32, #tpu.memory_space<hbm>> -> memref<1x1x1x79x128xi32, #tpu.memory_space<hbm>>
      %dma_start3A_43 = tpu.memref_squeeze %dma_start3A_42 : memref<1x1x1x79x128xi32, #tpu.memory_space<hbm>> -> memref<79x128xi32, #tpu.memory_space<hbm>>
      tpu.enqueue_dma source(%dma_start3A_43 : memref<79x128xi32, #tpu.memory_space<hbm>>) target(%arg7 : memref<79x128xi32, #tpu.memory_space<vmem>>) target_semaphore(%run_scoped3A_36 : memref<!tpu.dma_semaphore, #tpu.memory_space<semaphore_mem>>)
      %dma_wait3A = arith.constant 0 : i32
      %dma_wait3A_44 = arith.constant 0 : i32
      %dma_wait3A_45 = tpu.memref_slice %arg3[%arg0, %arg1, %run_scoped3A_22, %dma_wait3A, %dma_wait3A_44] : memref<2x16x2x79x128xi32, #tpu.memory_space<hbm>> -> memref<1x1x1x79x128xi32, #tpu.memory_space<hbm>>
      %dma_wait3A_46 = tpu.memref_squeeze %dma_wait3A_45 : memref<1x1x1x79x128xi32, #tpu.memory_space<hbm>> -> memref<79x128xi32, #tpu.memory_space<hbm>>
      %dma_wait3A_47 = arith.constant 0 : i32
      %dma_wait3A_48 = arith.constant 0 : i32
      %dma_wait3A_49 = tpu.memref_slice %arg3[%arg0, %arg1, %run_scoped3A_22, %dma_wait3A_47, %dma_wait3A_48] : memref<2x16x2x79x128xi32, #tpu.memory_space<hbm>> -> memref<1x1x1x79x128xi32, #tpu.memory_space<hbm>>
      %dma_wait3A_50 = tpu.memref_squeeze %dma_wait3A_49 : memref<1x1x1x79x128xi32, #tpu.memory_space<hbm>> -> memref<79x128xi32, #tpu.memory_space<hbm>>
      tpu.wait_dma2 semaphore(%run_scoped3A_36 : memref<!tpu.dma_semaphore, #tpu.memory_space<semaphore_mem>>) src(%dma_wait3A_50 : memref<79x128xi32, #tpu.memory_space<hbm>>) dst(%arg7 : memref<79x128xi32, #tpu.memory_space<vmem>>)
      tpu.yield
    }) : () -> ()
    %scan3A_23 = arith.constant 0 : i32
    %scan3A_24 = arith.constant 0 : i32
    %scan3A_25 = arith.constant 79 : i32
    %scan3A_26 = arith.addi %scan3A_24, %scan3A_25 : i32
    %scan3A_27 = arith.constant 1 : i32
    %scan3A_28 = scf.for %scan3A_36 = %scan3A_24 to %scan3A_26 step %scan3A_27 iter_args(%scan3A_37 = %scan3A_23) -> (i32)  : i32 {
      %dma_start3A = arith.constant 0 : i32
      %dma_start3A_38 = tpu.memref_slice %arg6[%scan3A_36, %dma_start3A] : memref<79x128xi32, #tpu.memory_space<vmem>> -> memref<1x128xi32, #tpu.memory_space<vmem>>
      %dma_start3A_39 = tpu.memref_squeeze %dma_start3A_38 : memref<1x128xi32, #tpu.memory_space<vmem>> -> memref<128xi32, #tpu.memory_space<vmem>>
      %dma_start3A_40 = arith.constant 0 : i32
      %dma_start3A_41 = arith.constant 0 : i32
      %dma_start3A_42 = tpu.memref_slice %arg4[%dma_start3A_40, %dma_start3A_41] : memref<20480x128xf32, #tpu.memory_space<hbm>> -> memref<20480x128xf32, #tpu.memory_space<hbm>>
      tpu.enqueue_indirect_dma source(%dma_start3A_42 : memref<20480x128xf32, #tpu.memory_space<hbm>>) target(%arg8 : memref<128x128xf32, #tpu.memory_space<vmem>>) offsets(%dma_start3A_39 : memref<128xi32, #tpu.memory_space<vmem>>) semaphore(%arg11 : memref<!tpu.dma_semaphore, #tpu.memory_space<semaphore_mem>>)
      %dma_wait3A = arith.constant 0 : i32
      %dma_wait3A_43 = tpu.memref_slice %arg6[%scan3A_36, %dma_wait3A] : memref<79x128xi32, #tpu.memory_space<vmem>> -> memref<1x128xi32, #tpu.memory_space<vmem>>
      %dma_wait3A_44 = tpu.memref_squeeze %dma_wait3A_43 : memref<1x128xi32, #tpu.memory_space<vmem>> -> memref<128xi32, #tpu.memory_space<vmem>>
      %dma_wait3A_45 = arith.constant 0 : i32
      %dma_wait3A_46 = arith.constant 0 : i32
      %dma_wait3A_47 = tpu.memref_slice %arg4[%dma_wait3A_45, %dma_wait3A_46] : memref<20480x128xf32, #tpu.memory_space<hbm>> -> memref<20480x128xf32, #tpu.memory_space<hbm>>
      tpu.wait_indirect_dma semaphore(%arg11 : memref<!tpu.dma_semaphore, #tpu.memory_space<semaphore_mem>>) src(%dma_wait3A_47 : memref<20480x128xf32, #tpu.memory_space<hbm>>) dst(%arg8 : memref<128x128xf32, #tpu.memory_space<vmem>>)
      "tpu.region"() ({
        %run_scoped3A_49 = tpu.sem_alloc : memref<!tpu.dma_semaphore, #tpu.memory_space<semaphore_mem>>
        %dma_start3A_50 = arith.constant 0 : i32
        %dma_start3A_51 = tpu.memref_slice %arg7[%scan3A_36, %dma_start3A_50] : memref<79x128xi32, #tpu.memory_space<vmem>> -> memref<1x128xi32, #tpu.memory_space<vmem>>
        %dma_start3A_52 = tpu.memref_squeeze %dma_start3A_51 : memref<1x128xi32, #tpu.memory_space<vmem>> -> memref<128xi32, #tpu.memory_space<vmem>>
        %dma_start3A_53 = arith.constant 0 : i32
        %dma_start3A_54 = arith.constant 0 : i32
        %dma_start3A_55 = tpu.memref_slice %arg10[%dma_start3A_53, %dma_start3A_54] : memref<10240x128xf32, #tpu.memory_space<vmem_shared>> -> memref<10240x128xf32, #tpu.memory_space<vmem_shared>>
        tpu.enqueue_indirect_dma source(%arg8 : memref<128x128xf32, #tpu.memory_space<vmem>>) target(%dma_start3A_55 : memref<10240x128xf32, #tpu.memory_space<vmem_shared>>) offsets(%dma_start3A_52 : memref<128xi32, #tpu.memory_space<vmem>>) semaphore(%run_scoped3A_49 : memref<!tpu.dma_semaphore, #tpu.memory_space<semaphore_mem>>) {add = true}
        %dma_wait3A_56 = arith.constant 0 : i32
        %dma_wait3A_57 = tpu.memref_slice %arg7[%scan3A_36, %dma_wait3A_56] : memref<79x128xi32, #tpu.memory_space<vmem>> -> memref<1x128xi32, #tpu.memory_space<vmem>>
        %dma_wait3A_58 = tpu.memref_squeeze %dma_wait3A_57 : memref<1x128xi32, #tpu.memory_space<vmem>> -> memref<128xi32, #tpu.memory_space<vmem>>
        %dma_wait3A_59 = arith.constant 0 : i32
        %dma_wait3A_60 = arith.constant 0 : i32
        %dma_wait3A_61 = tpu.memref_slice %arg10[%dma_wait3A_59, %dma_wait3A_60] : memref<10240x128xf32, #tpu.memory_space<vmem_shared>> -> memref<10240x128xf32, #tpu.memory_space<vmem_shared>>
        tpu.wait_indirect_dma semaphore(%run_scoped3A_49 : memref<!tpu.dma_semaphore, #tpu.memory_space<semaphore_mem>>) src(%arg8 : memref<128x128xf32, #tpu.memory_space<vmem>>) dst(%dma_wait3A_61 : memref<10240x128xf32, #tpu.memory_space<vmem_shared>>)
        tpu.yield
      }) : () -> ()
      %scan3A_48 = arith.constant 0 : i32
      scf.yield %scan3A_48 : i32
    }
    %scan3A_29 = arith.constant 79 : i32
    %barrier3A_30 = arith.constant 0 : index
    tpu.barrier barrier_id(%barrier3A_30)
    %mul3A = arith.constant 640 : i32
    %mul3A_31 = arith.muli %arg1, %mul3A : i32
    %mul3A_32 = arith.constant 10240 : i32
    %mul3A_33 = arith.muli %arg0, %mul3A_32 : i32
    %mul3A_34 = arith.constant 640 : i32
    %mul3A_35 = arith.muli %arg1, %mul3A_34 : i32
    %add3A = arith.addi %mul3A_33, %mul3A_35 : i32
    "tpu.region"() ({
      %run_scoped3A_36 = tpu.sem_alloc : memref<!tpu.dma_semaphore, #tpu.memory_space<semaphore_mem>>
      %dma_start3A = arith.constant 0 : i32
      %dma_start3A_37 = tpu.memref_slice %arg5[%add3A, %dma_start3A] : memref<20480x128xf32, #tpu.memory_space<hbm>> -> memref<640x128xf32, #tpu.memory_space<hbm>>
      %dma_start3A_38 = arith.constant 0 : i32
      %dma_start3A_39 = tpu.memref_slice %arg10[%mul3A_31, %dma_start3A_38] : memref<10240x128xf32, #tpu.memory_space<vmem_shared>> -> memref<640x128xf32, #tpu.memory_space<vmem_shared>>
      tpu.enqueue_dma source(%dma_start3A_39 : memref<640x128xf32, #tpu.memory_space<vmem_shared>>) target(%dma_start3A_37 : memref<640x128xf32, #tpu.memory_space<hbm>>) target_semaphore(%run_scoped3A_36 : memref<!tpu.dma_semaphore, #tpu.memory_space<semaphore_mem>>)
      %dma_wait3A = arith.constant 0 : i32
      %dma_wait3A_40 = tpu.memref_slice %arg5[%add3A, %dma_wait3A] : memref<20480x128xf32, #tpu.memory_space<hbm>> -> memref<640x128xf32, #tpu.memory_space<hbm>>
      %dma_wait3A_41 = arith.constant 0 : i32
      %dma_wait3A_42 = tpu.memref_slice %arg10[%mul3A_31, %dma_wait3A_41] : memref<10240x128xf32, #tpu.memory_space<vmem_shared>> -> memref<640x128xf32, #tpu.memory_space<vmem_shared>>
      tpu.wait_dma2 semaphore(%run_scoped3A_36 : memref<!tpu.dma_semaphore, #tpu.memory_space<semaphore_mem>>) src(%dma_wait3A_42 : memref<640x128xf32, #tpu.memory_space<vmem_shared>>) dst(%dma_wait3A_40 : memref<640x128xf32, #tpu.memory_space<hbm>>)
      tpu.yield
    }) : () -> ()
    return
  }
}

module attributes {stable_mosaic.version = 14 : i64} {
  func.func @_prep_body(%arg0: i32, %arg1: memref<1024x128xf32, #tpu.memory_space<vmem>>, %arg2: memref<128x128xf32, #tpu.memory_space<vmem>>, %arg3: memref<128x128xf32, #tpu.memory_space<vmem>>, %arg4: memref<1024x1xf32, #tpu.memory_space<vmem>>, %arg5: memref<1024x1xf32, #tpu.memory_space<vmem>>, %arg6: memref<2x1024x128xf32, #tpu.memory_space<vmem>>, %arg7: memref<1024x1xf32, #tpu.memory_space<vmem>>, %arg8: memref<1024x1xf32, #tpu.memory_space<vmem>>) attributes {dimension_semantics = [#tpu.dimension_semantics<arbitrary>], iteration_bounds = array<i64: 10>, scalar_prefetch = 0 : i64, scratch_operands = 0 : i64, tpu.core_type = #tpu.core_type<tc>, window_params = [{transform_indices = @transform_0, window_bounds = array<i64: 1024, 128>}, {pipeline_mode = #tpu.pipeline_mode<synchronous>, transform_indices = @transform_1, window_bounds = array<i64: 128, 128>}, {pipeline_mode = #tpu.pipeline_mode<synchronous>, transform_indices = @transform_2, window_bounds = array<i64: 128, 128>}, {transform_indices = @transform_3, window_bounds = array<i64: 1024, 1>}, {transform_indices = @transform_4, window_bounds = array<i64: 1024, 1>}, {transform_indices = @transform_5, window_bounds = array<i64: 2, 1024, 128>}, {transform_indices = @transform_6, window_bounds = array<i64: 1024, 1>}, {transform_indices = @transform_7, window_bounds = array<i64: 1024, 1>}]} {
    %get3A = arith.constant 0 : index
    %get3A_0 = arith.constant 0 : index
    %get3A_1 = vector.load %arg1[%get3A, %get3A_0] : memref<1024x128xf32, #tpu.memory_space<vmem>>, vector<1024x128xf32>
    %get3A_2 = arith.constant 0 : index
    %get3A_3 = arith.constant 0 : index
    %get3A_4 = vector.load %arg4[%get3A_2, %get3A_3] : memref<1024x1xf32, #tpu.memory_space<vmem>>, vector<1024x1xf32>
    %get3A_5 = arith.constant 0 : index
    %get3A_6 = arith.constant 0 : index
    %get3A_7 = vector.load %arg5[%get3A_5, %get3A_6] : memref<1024x1xf32, #tpu.memory_space<vmem>>, vector<1024x1xf32>
    %gt3A = arith.constant 0.000000e+00 : f32
    %gt3A_8 = vector.broadcast %gt3A : f32 to vector<1024x1xf32>
    %gt3A_9 = arith.cmpf ogt, %get3A_4, %gt3A_8 : vector<1024x1xf32>
    %rsqrt3A = math.rsqrt %get3A_4 : vector<1024x1xf32>
    %jit3A = arith.constant 0.000000e+00 : f32
    %broadcast_in_dim3A = vector.broadcast %jit3A : f32 to vector<1024x1xf32>
    %select_n3A = arith.select %gt3A_9, %rsqrt3A, %broadcast_in_dim3A : vector<1024x1xi1>, vector<1024x1xf32>
    %gt3A_10 = arith.constant 0.000000e+00 : f32
    %gt3A_11 = vector.broadcast %gt3A_10 : f32 to vector<1024x1xf32>
    %gt3A_12 = arith.cmpf ogt, %get3A_7, %gt3A_11 : vector<1024x1xf32>
    %rsqrt3A_13 = math.rsqrt %get3A_7 : vector<1024x1xf32>
    %jit3A_14 = arith.constant 0.000000e+00 : f32
    %broadcast_in_dim3A_15 = vector.broadcast %jit3A_14 : f32 to vector<1024x1xf32>
    %select_n3A_16 = arith.select %gt3A_12, %rsqrt3A_13, %broadcast_in_dim3A_15 : vector<1024x1xi1>, vector<1024x1xf32>
    %mul3A = arith.constant 5.000000e-01 : f32
    %mul3A_17 = vector.broadcast %mul3A : f32 to vector<1024x1xf32>
    %mul3A_18 = arith.mulf %mul3A_17, %select_n3A_16 : vector<1024x1xf32>
    %get3A_19 = arith.constant 0 : index
    %get3A_20 = arith.constant 0 : index
    %get3A_21 = vector.load %arg2[%get3A_19, %get3A_20] : memref<128x128xf32, #tpu.memory_space<vmem>>, vector<128x128xf32>
    %dot_general3A = arith.constant dense<0.000000e+00> : vector<1024x128xf32>
    %dot_general3A_22 = tpu.matmul %get3A_1, %get3A_21, %dot_general3A {dimension_numbers = #tpu.dot_dimension_numbers<[1], [1], [0], [0], [0, 0, 1, 0], [], []>, precision = #tpu.contract_precision<fp32>, transpose_lhs_hint = false} : vector<1024x128xf32>, vector<128x128xf32>, vector<1024x128xf32> -> vector<1024x128xf32>
    %mul3A_23 = vector.broadcast %mul3A_18 : vector<1024x1xf32> to vector<1024x128xf32>
    %mul3A_24 = arith.mulf %mul3A_23, %dot_general3A_22 : vector<1024x128xf32>
    %swap3A = arith.constant 0 : index
    %swap3A_25 = arith.constant 0 : index
    %swap3A_26 = arith.constant 0 : index
    %swap3A_27 = vector.load %arg6[%swap3A, %swap3A_25, %swap3A_26] : memref<2x1024x128xf32, #tpu.memory_space<vmem>>, vector<1x1024x128xf32>
    %swap3A_28 = vector.shape_cast %swap3A_27 : vector<1x1024x128xf32> to vector<1024x128xf32>
    %swap3A_29 = vector.shape_cast %mul3A_24 : vector<1024x128xf32> to vector<1x1024x128xf32>
    tpu.vector_store %arg6[%swap3A, %swap3A_25, %swap3A_26], %swap3A_29 {strides = array<i32>} : memref<2x1024x128xf32, #tpu.memory_space<vmem>>, vector<1x1024x128xf32>,
    %mul3A_30 = arith.constant 5.000000e-01 : f32
    %mul3A_31 = vector.broadcast %mul3A_30 : f32 to vector<1024x1xf32>
    %mul3A_32 = arith.mulf %mul3A_31, %select_n3A : vector<1024x1xf32>
    %get3A_33 = arith.constant 0 : index
    %get3A_34 = arith.constant 0 : index
    %get3A_35 = vector.load %arg3[%get3A_33, %get3A_34] : memref<128x128xf32, #tpu.memory_space<vmem>>, vector<128x128xf32>
    %dot_general3A_36 = arith.constant dense<0.000000e+00> : vector<1024x128xf32>
    %dot_general3A_37 = tpu.matmul %get3A_1, %get3A_35, %dot_general3A_36 {dimension_numbers = #tpu.dot_dimension_numbers<[1], [1], [0], [0], [0, 0, 1, 0], [], []>, precision = #tpu.contract_precision<fp32>, transpose_lhs_hint = false} : vector<1024x128xf32>, vector<128x128xf32>, vector<1024x128xf32> -> vector<1024x128xf32>
    %mul3A_38 = vector.broadcast %mul3A_32 : vector<1024x1xf32> to vector<1024x128xf32>
    %mul3A_39 = arith.mulf %mul3A_38, %dot_general3A_37 : vector<1024x128xf32>
    %swap3A_40 = arith.constant 1 : index
    %swap3A_41 = arith.constant 0 : index
    %swap3A_42 = arith.constant 0 : index
    %swap3A_43 = vector.load %arg6[%swap3A_40, %swap3A_41, %swap3A_42] : memref<2x1024x128xf32, #tpu.memory_space<vmem>>, vector<1x1024x128xf32>
    %swap3A_44 = vector.shape_cast %swap3A_43 : vector<1x1024x128xf32> to vector<1024x128xf32>
    %swap3A_45 = vector.shape_cast %mul3A_39 : vector<1024x128xf32> to vector<1x1024x128xf32>
    tpu.vector_store %arg6[%swap3A_40, %swap3A_41, %swap3A_42], %swap3A_45 {strides = array<i32>} : memref<2x1024x128xf32, #tpu.memory_space<vmem>>, vector<1x1024x128xf32>,
    %swap3A_46 = arith.constant 0 : index
    %swap3A_47 = arith.constant 0 : index
    %swap3A_48 = vector.load %arg7[%swap3A_46, %swap3A_47] : memref<1024x1xf32, #tpu.memory_space<vmem>>, vector<1024x1xf32>
    tpu.vector_store %arg7[%swap3A_46, %swap3A_47], %select_n3A {strides = array<i32>} : memref<1024x1xf32, #tpu.memory_space<vmem>>, vector<1024x1xf32>,
    %swap3A_49 = arith.constant 0 : index
    %swap3A_50 = arith.constant 0 : index
    %swap3A_51 = vector.load %arg8[%swap3A_49, %swap3A_50] : memref<1024x1xf32, #tpu.memory_space<vmem>>, vector<1024x1xf32>
    tpu.vector_store %arg8[%swap3A_49, %swap3A_50], %select_n3A_16 {strides = array<i32>} : memref<1024x1xf32, #tpu.memory_space<vmem>>, vector<1024x1xf32>,
    return
  }
  func.func @transform_0(%arg0: i32) -> (i32, i32) {
    %c0_i32 = arith.constant 0 : i32
    %c0_i32_0 = arith.constant 0 : i32
    return %arg0, %c0_i32 : i32, i32
  }
  func.func @transform_1(%arg0: i32) -> (i32, i32) {
    %c0_i32 = arith.constant 0 : i32
    %c0_i32_0 = arith.constant 0 : i32
    %c0_i32_1 = arith.constant 0 : i32
    return %c0_i32, %c0_i32_0 : i32, i32
  }
  func.func @transform_2(%arg0: i32) -> (i32, i32) {
    %c0_i32 = arith.constant 0 : i32
    %c0_i32_0 = arith.constant 0 : i32
    %c0_i32_1 = arith.constant 0 : i32
    return %c0_i32, %c0_i32_0 : i32, i32
  }
  func.func @transform_3(%arg0: i32) -> (i32, i32) {
    %c0_i32 = arith.constant 0 : i32
    %c0_i32_0 = arith.constant 0 : i32
    return %arg0, %c0_i32 : i32, i32
  }
  func.func @transform_4(%arg0: i32) -> (i32, i32) {
    %c0_i32 = arith.constant 0 : i32
    %c0_i32_0 = arith.constant 0 : i32
    return %arg0, %c0_i32 : i32, i32
  }
  func.func @transform_5(%arg0: i32) -> (i32, i32, i32) {
    %c0_i32 = arith.constant 0 : i32
    %c0_i32_0 = arith.constant 0 : i32
    %c0_i32_1 = arith.constant 0 : i32
    return %c0_i32, %arg0, %c0_i32_0 : i32, i32, i32
  }
  func.func @transform_6(%arg0: i32) -> (i32, i32) {
    %c0_i32 = arith.constant 0 : i32
    %c0_i32_0 = arith.constant 0 : i32
    return %arg0, %c0_i32 : i32, i32
  }
  func.func @transform_7(%arg0: i32) -> (i32, i32) {
    %c0_i32 = arith.constant 0 : i32
    %c0_i32_0 = arith.constant 0 : i32
    return %arg0, %c0_i32 : i32, i32
  }
}

module attributes {stable_mosaic.version = 14 : i64} {
  func.func @_final_body(%arg0: i32, %arg1: memref<2x1024x128xf32, #tpu.memory_space<vmem>>, %arg2: memref<1024x1xf32, #tpu.memory_space<vmem>>, %arg3: memref<1024x1xf32, #tpu.memory_space<vmem>>, %arg4: memref<128xf32, #tpu.memory_space<vmem>>, %arg5: memref<128xf32, #tpu.memory_space<vmem>>, %arg6: memref<1024x128xf32, #tpu.memory_space<vmem>>) attributes {dimension_semantics = [#tpu.dimension_semantics<arbitrary>], iteration_bounds = array<i64: 10>, scalar_prefetch = 0 : i64, scratch_operands = 0 : i64, tpu.core_type = #tpu.core_type<tc>, window_params = [{transform_indices = @transform_0, window_bounds = array<i64: 2, 1024, 128>}, {transform_indices = @transform_1, window_bounds = array<i64: 1024, 1>}, {transform_indices = @transform_2, window_bounds = array<i64: 1024, 1>}, {pipeline_mode = #tpu.pipeline_mode<synchronous>, transform_indices = @transform_3, window_bounds = array<i64: 128>}, {pipeline_mode = #tpu.pipeline_mode<synchronous>, transform_indices = @transform_4, window_bounds = array<i64: 128>}, {transform_indices = @transform_5, window_bounds = array<i64: 1024, 128>}]} {
    %get3A = arith.constant 0 : index
    %get3A_0 = vector.load %arg4[%get3A] : memref<128xf32, #tpu.memory_space<vmem>>, vector<128xf32>
    %mul3A = arith.constant 5.000000e-01 : f32
    %mul3A_1 = vector.broadcast %mul3A : f32 to vector<128xf32>
    %mul3A_2 = arith.mulf %mul3A_1, %get3A_0 : vector<128xf32>
    %get3A_3 = arith.constant 0 : index
    %get3A_4 = vector.load %arg5[%get3A_3] : memref<128xf32, #tpu.memory_space<vmem>>, vector<128xf32>
    %mul3A_5 = arith.constant 5.000000e-01 : f32
    %mul3A_6 = vector.broadcast %mul3A_5 : f32 to vector<128xf32>
    %mul3A_7 = arith.mulf %mul3A_6, %get3A_4 : vector<128xf32>
    %add3A = arith.addf %mul3A_2, %mul3A_7 : vector<128xf32>
    %get3A_8 = arith.constant 0 : index
    %get3A_9 = arith.constant 0 : index
    %get3A_10 = vector.load %arg2[%get3A_8, %get3A_9] : memref<1024x1xf32, #tpu.memory_space<vmem>>, vector<1024x1xf32>
    %get3A_11 = arith.constant 0 : index
    %get3A_12 = arith.constant 0 : index
    %get3A_13 = arith.constant 0 : index
    %get3A_14 = vector.load %arg1[%get3A_11, %get3A_12, %get3A_13] : memref<2x1024x128xf32, #tpu.memory_space<vmem>>, vector<1x1024x128xf32>
    %get3A_15 = vector.shape_cast %get3A_14 : vector<1x1024x128xf32> to vector<1024x128xf32>
    %mul3A_16 = vector.broadcast %get3A_10 : vector<1024x1xf32> to vector<1024x128xf32>
    %mul3A_17 = arith.mulf %mul3A_16, %get3A_15 : vector<1024x128xf32>
    %get3A_18 = arith.constant 0 : index
    %get3A_19 = arith.constant 0 : index
    %get3A_20 = vector.load %arg3[%get3A_18, %get3A_19] : memref<1024x1xf32, #tpu.memory_space<vmem>>, vector<1024x1xf32>
    %get3A_21 = arith.constant 1 : index
    %get3A_22 = arith.constant 0 : index
    %get3A_23 = arith.constant 0 : index
    %get3A_24 = vector.load %arg1[%get3A_21, %get3A_22, %get3A_23] : memref<2x1024x128xf32, #tpu.memory_space<vmem>>, vector<1x1024x128xf32>
    %get3A_25 = vector.shape_cast %get3A_24 : vector<1x1024x128xf32> to vector<1024x128xf32>
    %mul3A_26 = vector.broadcast %get3A_20 : vector<1024x1xf32> to vector<1024x128xf32>
    %mul3A_27 = arith.mulf %mul3A_26, %get3A_25 : vector<1024x128xf32>
    %add3A_28 = arith.addf %mul3A_17, %mul3A_27 : vector<1024x128xf32>
    %broadcast_in_dim3A = vector.shape_cast %add3A : vector<128xf32> to vector<1x128xf32>
    %add3A_29 = vector.broadcast %broadcast_in_dim3A : vector<1x128xf32> to vector<1024x128xf32>
    %add3A_30 = arith.addf %add3A_28, %add3A_29 : vector<1024x128xf32>
    %swap3A = arith.constant 0 : index
    %swap3A_31 = arith.constant 0 : index
    %swap3A_32 = vector.load %arg6[%swap3A, %swap3A_31] : memref<1024x128xf32, #tpu.memory_space<vmem>>, vector<1024x128xf32>
    tpu.vector_store %arg6[%swap3A, %swap3A_31], %add3A_30 {strides = array<i32>} : memref<1024x128xf32, #tpu.memory_space<vmem>>, vector<1024x128xf32>,
    return
  }
  func.func @transform_0(%arg0: i32) -> (i32, i32, i32) {
    %c0_i32 = arith.constant 0 : i32
    %c0_i32_0 = arith.constant 0 : i32
    %c0_i32_1 = arith.constant 0 : i32
    return %c0_i32, %arg0, %c0_i32_0 : i32, i32, i32
  }
  func.func @transform_1(%arg0: i32) -> (i32, i32) {
    %c0_i32 = arith.constant 0 : i32
    %c0_i32_0 = arith.constant 0 : i32
    return %arg0, %c0_i32 : i32, i32
  }
  func.func @transform_2(%arg0: i32) -> (i32, i32) {
    %c0_i32 = arith.constant 0 : i32
    %c0_i32_0 = arith.constant 0 : i32
    return %arg0, %c0_i32 : i32, i32
  }
  func.func @transform_3(%arg0: i32) -> i32 {
    %c0_i32 = arith.constant 0 : i32
    %c0_i32_0 = arith.constant 0 : i32
    return %c0_i32 : i32
  }
  func.func @transform_4(%arg0: i32) -> i32 {
    %c0_i32 = arith.constant 0 : i32
    %c0_i32_0 = arith.constant 0 : i32
    return %c0_i32 : i32
  }
  func.func @transform_5(%arg0: i32) -> (i32, i32) {
    %c0_i32 = arith.constant 0 : i32
    %c0_i32_0 = arith.constant 0 : i32
    return %arg0, %c0_i32 : i32, i32
  }
}

</mosaic_0001>

<sc_bundles>
// kernel: kernel.6.cloned.1.call-start
scs
__scs_entry_jumppad:
0x0: {  	(pc) =	sbr.rel $0x88, $3  }
0x1: {  	(tag) =	ssettag $0x0;
	lr =	simm.s32 $0x1  }
0x2: {  	[smem:$0x3F9B] =	sst lr;
	_ =	strace $0xD0000000  }
0x3: {  	_ = 	snop  }
0x4: {  	_ = 	snop  }
0x5: {  	_ = 	snop  }
0x6: {  	_ = 	snop  }
0x7: {  	_ = 	snop  }
__scs_overlays_trampoline_lowered:
0x8: {  	[smem:$0x3FAA] =	sst s0  }
0x9: {  	[smem:$0x3FAB] =	sst s1  }
0xa: {  	[smem:$0x3FAC] =	sst s2  }
0xb: {  	[smem:$0x3FAD] =	sst s3  }
0xc: {  	[smem:$0x3FAE] =	sst s4  }
0xd: {  	[smem:$0x3FAF] =	sst s5  }
0xe: {  	[smem:$0x3FB0] =	sst s6  }
0xf: {  	[smem:$0x3FB1] =	sst s7  }
0x10: {  	[smem:$0x3FB2] =	sst s8  }
0x11: {  	[smem:$0x3FB3] =	sst s9;
	s0 =	simm.s32 @!p0 $0x0  }
0x12: {  	s1 =	sld [smem:$0x3F99];
	s0 =	simm.s32 @p0 $0x1  }
0x13: {  	[smem:$0x3FB4] =	sst s0;
	s0 =	simm.s32 @!p1 $0x0  }
0x14: {  	s2 =	sld [smem:$0x3F98];
	s0 =	simm.s32 @p1 $0x1  }
0x15: {  	[smem:$0x3FB5] =	sst s0;
	s0 =	simm.s32 @!p2 $0x0  }
0x16: {  	s3 =	sld [smem:$0x3FDB];
	s0 =	simm.s32 @p2 $0x1  }
0x17: {  	s4 =	simm.s32 $0x1BF5;
	[smem:$0x3FB7] =	sst s0  }
0x18: {  	s0 =	sld [smem:$0x3F9A];
	_ =	swait.ge [sflag:s4], $0x0  }
0x19: {  	s7 =	sld [smem:$0x3F9B]  }
0x1a: {  	s8 =	sadd.s32 $0xFFFFE003, lr  }
0x1b: {  	s9 =	sadd.s32 $0xFFFFFEF7, lr;
	s5 =	simm.s32 $0xFFFFFFFF;
	p2 =	slt.u32 s8, $0xFFFFF086  }
0x1c: {  	p1 =	slt.u32 s9, $0xF7A;
	s5 =	simm.s32 @!p2 $0x0  }
0x1d: {  	s5 =	simm.s32 @p1 $0x1;
	p0 =	seq.s32 s7, s2  }
0x1e: {  	s7 =	smul.u32 @!p0 $0xF7A, s2;
	p2 =	seq.s32 @!p0 s5, $0x0  }
0x1f: {  	s9 =	smul.u32 $0xF7A, s1;
	s8 =	simm.s32 @!p0 $0x1BF5;
	p2 =	por !p2, p0  }
0x20: {  	[sflag:s8] =	ssyncset.s32 @!p0 $0xFFFFF086;
	s6 =	sadd.s32 @!p0 s3, s7;
	s7 =	simm.s32 @!p0 $0x108  }
0x21: {  	s3 =	sadd.s32 s3, s9;
	s6 =	sadd.s32 @!p0 $0x88, s6;
	s7 =	simm.s32 @p2 $0x1082  }
0x22: {  	[simem:s7], [sflag:s8] =	dma.local @!p0 [hbm:s6], $0xF7A  }
0x23: {  	s9 =	sor.u32 $0xD0000000, s2;
	s6 =	simm.s32 $0x108;
	_ =	swait.ge @!p0 [sflag:s8], $0x0  }
0x24: {  	s3 =	sadd.s32 $0x88, s3;
	s6 =	simm.s32 @!p1 $0x1082;
	[sflag:s4] =	ssyncset.s32 $0xFFFFF086  }
0x25: {  	[simem:s6], [sflag:s4] =	dma.local [hbm:s3], $0xF7A  }
0x26: {  	[smem:$0x3F9B] =	sst s1;
	(tag) =	ssettag s2;
	_ =	strace s9  }
0x27: {  	s1 =	sld [smem:$0x3FAB]  }
0x28: {  	s2 =	sld [smem:$0x3FAC]  }
0x29: {  	s4 =	sld [smem:$0x3FAE]  }
0x2a: {  	p0 =	seq.s32 s5, $0x0;
	s5 =	sld [smem:$0x3FAF]  }
0x2b: {  	s6 =	sld [smem:$0x3FB0]  }
0x2c: {  	s7 =	sld [smem:$0x3FB1]  }
0x2d: {  	s3 =	simm.s32 $0x108;
	s8 =	sld [smem:$0x3FB2]  }
0x2e: {  	s3 =	simm.s32 @!p0 $0x1082;
	s9 =	sld [smem:$0x3FB3]  }
0x2f: {  	lr =	sadd.s32 s0, s3;
	s0 =	sld [smem:$0x3FAA]  }
0x30: {  	s3 =	sld [smem:$0x3FAD]  }
0x31: {  	[smem:$0x3FB6] =	sst s10  }
0x32: {  	s10 =	sld [smem:$0x3FB4];
	_ =	sdelay $0x3  }
0x33: {  	p0 =	seq.s32 s10, $0x1;
	s10 =	sld [smem:$0x3FB6];
	_ =	sdelay $0x3  }
0x34: {  	[smem:$0x3FB6] =	sst s10  }
0x35: {  	s10 =	sld [smem:$0x3FB5];
	_ =	sdelay $0x3  }
0x36: {  	p1 =	seq.s32 s10, $0x1;
	s10 =	sld [smem:$0x3FB6];
	_ =	sdelay $0x3  }
0x37: {  	[smem:$0x3FB6] =	sst s10  }
0x38: {  	s10 =	sld [smem:$0x3FB7]  }
0x39: {  	_ = 	snop;
	(pc) =	sbr.ind lr, $3  }
0x3a: {  	_ = 	snop  }
0x3b: {  	_ = 	snop  }
0x3c: {  	p2 =	seq.s32 s10, $0x1;
	s10 =	sld [smem:$0x3FB6]  }
0x3d: {  	_ =	shalt  }
0x3e: {  	_ =	shalt  }
0x3f: {  	_ =	shalt  }
0x40: {  	_ =	shalt  }
0x41: {  	_ =	shalt  }
0x42: {  	_ =	shalt  }
0x43: {  	_ =	shalt  }
0x44: {  	_ =	shalt  }
0x45: {  	_ =	shalt  }
0x46: {  	_ =	shalt  }
0x47: {  	_ =	shalt  }
0x48: {  	_ =	shalt  }
0x49: {  	_ =	shalt  }
0x4a: {  	_ =	shalt  }
0x4b: {  	_ =	shalt  }
0x4c: {  	_ =	shalt  }
0x4d: {  	_ =	shalt  }
0x4e: {  	_ =	shalt  }
0x4f: {  	_ =	shalt  }
0x50: {  	_ =	shalt  }
0x51: {  	_ =	shalt  }
0x52: {  	_ =	shalt  }
0x53: {  	_ =	shalt  }
0x54: {  	_ =	shalt  }
0x55: {  	_ =	shalt  }
0x56: {  	_ =	shalt  }
0x57: {  	_ =	shalt  }
0x58: {  	_ =	shalt  }
0x59: {  	_ =	shalt  }
0x5a: {  	_ =	shalt  }
0x5b: {  	_ =	shalt  }
0x5c: {  	_ =	shalt  }
0x5d: {  	_ =	shalt  }
0x5e: {  	_ =	shalt  }
0x5f: {  	_ =	shalt  }
0x60: {  	_ =	shalt  }
0x61: {  	_ =	shalt  }
0x62: {  	_ =	shalt  }
0x63: {  	_ =	shalt  }
0x64: {  	_ =	shalt  }
0x65: {  	_ =	shalt  }
0x66: {  	_ =	shalt  }
0x67: {  	_ =	shalt  }
0x68: {  	_ =	shalt  }
0x69: {  	_ =	shalt  }
0x6a: {  	_ =	shalt  }
0x6b: {  	_ =	shalt  }
0x6c: {  	_ =	shalt  }
0x6d: {  	_ =	shalt  }
0x6e: {  	_ =	shalt  }
0x6f: {  	_ =	shalt  }
0x70: {  	_ =	shalt  }
0x71: {  	_ =	shalt  }
0x72: {  	_ =	shalt  }
0x73: {  	_ =	shalt  }
0x74: {  	_ =	shalt  }
0x75: {  	_ =	shalt  }
0x76: {  	_ =	shalt  }
0x77: {  	_ =	shalt  }
0x78: {  	_ =	shalt  }
0x79: {  	_ =	shalt  }
0x7a: {  	_ =	shalt  }
0x7b: {  	_ =	shalt  }
0x7c: {  	_ =	shalt  }
0x7d: {  	_ =	shalt  }
0x7e: {  	_ =	shalt  }
0x7f: {  	_ =	shalt  }
0x80: {  	_ =	shalt  }
0x81: {  	_ =	shalt  }
0x82: {  	_ =	shalt  }
0x83: {  	_ =	shalt  }
0x84: {  	_ =	shalt  }
0x85: {  	_ =	shalt  }
0x86: {  	_ =	shalt  }
0x87: {  	_ =	shalt  }
.Lfunc_end0:
.L_simem_size_0:
called_computation_lowered:
.L_overlay_start_0:
0x88: {  	s2 =	sld [smem:$0x3FD9]  }
0x89: {  	s3 =	sld [smem:$0x3FFE];
	_ =	sdelay $0x1  }
0x8a: {  	s1 =	srdreg.scid  }
0x8b: {  	s0 =	sand.u32 $0x1, s1  }
0x8c: {  	s17 =	sshll.u32 s0, $0xA;
	s2 =	sadd.s32 s3, s2  }
0x8d: {  	s2 =	sadd.s32 s2, s17  }
0x8e: {  	[smem:$0x3FC2] =	sst s2  }
0x8f: {  	_ = 	snop  }
0x90: {  	s2 =	sld [smem:$0x3FD0];
	(tm) =	ssettm $0x1  }
0x91: {  	s18 =	sld [smem:$0x3FFB];
	_ =	sdelay $0x3  }
0x92: {  	_ =	strace s18  }
0x93: {  	s3 =	sld [smem:$0x3FFC];
	_ =	sdelay $0x3  }
0x94: {  	_ =	strace s3  }
0x95: {  	s3 =	sld [smem:$0x3FFD];
	_ =	sdelay $0x3  }
0x96: {  	_ =	strace s3  }
0x97: {  	_ =	strace $0x8FFFFFFF  }
0x98: {  	s19 =	sld [smem:$0x3FDB];
	_ =	sdelay $0x1  }
0x99: {  	s4 =	simm.s32 $_scs_section_size  }
0x9a: {  	s5 =	simm.s32 $_size__tile_overlayer_lowered;
	s6 =	simm.s32 $_tile_overlayer_lowered  }
0x9b: {  	s22 =	simm.s32 $0x1BFF;
	s21 =	sshll.u32 s6, $0x1;
	s3 =	sadd.s32 s4, s19  }
0x9c: {  	s7 =	simm.s32 $0x0;
	s20 =	sshll.u32 s5, $0x1;
	s5 =	sadd.s32 s21, s3  }
0x9d: {  	[timem:s7], [sflag:s22] =	dma.local [hbm:s5], s20  }
0x9e: {  	_ =	swait.ge [sflag:s22], s20  }
0x9f: {  	s4 =	ssub.s32 $0x0, s20;
	[sflag:s22] =	ssyncset.done $0x0  }
0xa0: {  	[sflag:s22] =	ssyncadd.s32 s4;
	_ =	sdelay $0x1  }
0xa1: {  	s23 =	simm.s32 $0x1B8B  }
0xa2: {  	_ =	swait.ge [sflag:s23], $0x1  }
0xa3: {  	[sflag:s23] =	ssyncset.done $0x0  }
0xa4: {  	s25 =	simm.s32 $0x1B8E;
	s24 =	sld [smem:$0x3FFE];
	[sflag:s23] =	ssyncadd.s32 $0xFFFFFFFF  }
0xa5: {  	s26 =	simm.s32 $execute0_lowered;
	[smem:$0x3FD2] =	sst s25  }
0xa6: {  	s5 =	sshll.u32 s26, $0x1;
	_ =	strace $0x80000046;
	[dreg:$0x1] =	wrdreg $0xFFFFFFFF  }
0xa7: {  	s28 =	simm.s32 $_size_execute0_lowered;
	s3 =	sadd.s32 s3, s5;
	[dreg:$0x0] =	wrdreg $0x0  }
0xa8: {  	s5 =	sshll.u32 s28, $0x1;
	[dreg:$0x2] =	wrdreg s3  }
0xa9: {  	[dreg:$0x3] =	wrdreg s5  }
0xaa: {  	[dreg:$0x4] =	wrdreg $0xC0  }
0xab: {  	_ =	task [dreg:s7], $0x5FFFF  }
0xac: {  	[dreg:$0x1] =	wrdreg $0xFFFFFFFF  }
0xad: {  	[dreg:$0x0] =	wrdreg $0x60  }
0xae: {  	[dreg:$0x2] =	wrdreg s2  }
0xaf: {  	[dreg:$0x3] =	wrdreg s24  }
0xb0: {  	[dreg:$0x4] =	wrdreg $0x53000  }
0xb1: {  	[dreg:$0x5] =	wrdreg $0x9  }
0xb2: {  	_ =	task.clear_ibuf [dreg:s7], $0x6FFFF;
	_ =	strace $0x90000046  }
0xb3: {  	s29 =	simm.s32 $0x9;
	_ =	strace $0x80000048  }
0xb4: {  	_ =	swait.ge [sflag:s29], $0x1  }
0xb5: {  	[sflag:s29] =	ssyncadd.s32 $0xFFFFFFFF  }
0xb6: {  	_ =	strace $0x90000048  }
0xb7: {  	_ =	sfence  }
0xb8: {  	s30 =	sld [smem:$0x0];
	_ =	sdelay $0x2  }
0xb9: {  	s31 =	sshll.u32 s1, $0xD;
	s1 =	sshrl.u32 s1, $0x2  }
0xba: {  	s3 =	sand.u32 $0x4000, s31;
	s1 =	sadd.s32 s1, s30  }
0xbb: {  	s0 =	sor.u32 s3, s0;
	s1 =	sshll.u32 s1, $0x11  }
0xbc: {  	s0 =	sor.u32 s1, s0  }
0xbd: {  	s0 =	sadd.s32 $0x8F2B, s0  }
0xbe: {  	[sflag:s0] =	ssyncadd.remote.s32 $0x1  }
0xbf: {  	_ =	sfence.sel $0xFFFF  }
0xc0: {  	[dreg:$0x0] =	wrdreg $0xFFFFFFFF;
	(pc) =	sbr.abs _section_cstart, $3  }
0xc1: {  	[dreg:$0x1] =	wrdreg $0xFFFFFFFF  }
0xc2: {  	_ =	task.clear_ibuf [dreg:s7], $0x2FFFF;
	_ =	strace $0x9FFFFFFF  }
0xc3: {  	(tm) =	ssettm $0x7FFFFFFF  }
tec
execute0_lowered:
.L_overlay_start_1:
0x0: {  	(tag) =	ssettag $0x1  }
0x1: {  	s5 =	rddreg [dreg:$0x0]  }
0x2: {  	s4 =	rddreg [dreg:$0x1]  }
0x3: {  	s2 =	rddreg [dreg:$0x2]  }
0x4: {  	s3 =	srdreg.scid;
	s1 =	stileid.u32  }
0x5: {  	s0 =	rddreg [dreg:$0x3];
	s11 =	simm.s32 $0x5000;
	s14 =	simm.s32 $0x20  }
0x6: {  	s15 =	simm.s32 $0x10;
	s16 =	simm.s32 $0x0;
	s7 =	smul.u32 $0x500, s1  }
0x7: {  	s6 =	sand.u32 $0x1, s3;
	s3 =	simm.s32 $0x0;
	s26 =	smul.u32 $0x5000, s1  }
0x8: {  	s10 =	smul.u32 $0xA00, s1;
	s12 =	sshll.u32 s1, $0x6;
	s8 =	sshll.u32 s6, $0x7  }
0x9: {  	s9 =	smul.u32 $0x50000, s6;
	[smem:$0x7FF] =	sst s3;
	s28 =	ssub.s32 $0x2, s6  }
0xa: {  	s12 =	sor.u32 $0x1C01, s12;
	s7 =	sor.u32 s8, s7;
	_ =	strace $0x80000047  }
0xb: {  	s30 =	sshrl.u32 s28, $0x1;
	s31 =	sshrl.u32 s10, $0x2;
	s10 =	simm.s32 $0x80  }
0xc: {  	s7 =	sshrl.u32 s7, $0x3;
	s29 =	sadd.s32 s26, s9;
	s8 =	ssub.s32 s28, s30  }
0xd: {  	s9 =	simm.s32 $0x1;
	s7 =	sadd.s32 s7, s4;
	s6 =	sshrl.u32 s29, $0x3  }
0xe: {  	s4 =	sadd.s32 s31, s2;
	s5 =	sadd.s32 s5, s6;
	s6 =	sadd.s32 $0x1800, s7  }
0xf: {  	v0 =	vimm.f32 $1.000000000e+00;
	v1 =	vimm.f32 $0.0e+00;
	s7 =	smax.u32 s8, $0x1;
	s8 =	simm.s32 $0x5080;
	s13 =	sshrl.u32 s4, $0x3  }
.LBB2_1:
0x10: {  	[tilespmem:$0x5000] =	vst v0  }
0x11: {  	[tilespmem:$0x5010] =	vst v0  }
0x12: {  	[tilespmem:$0x5020] =	vst v0  }
0x13: {  	[tilespmem:$0x5030] =	vst v0  }
0x14: {  	[tilespmem:$0x5040] =	vst v0  }
0x15: {  	[tilespmem:$0x5050] =	vst v0  }
0x16: {  	[tilespmem:$0x5060] =	vst v0  }
0x17: {  	[tilespmem:$0x5070] =	vst v0  }
0x18: {  	[tilespmem:$0x5080] =	vst v1  }
0x19: {  	[tilespmem:$0x5090] =	vst v1  }
0x1a: {  	[tilespmem:$0x50A0] =	vst v1  }
0x1b: {  	[tilespmem:$0x50B0] =	vst v1  }
0x1c: {  	[tilespmem:$0x50C0] =	vst v1  }
0x1d: {  	[tilespmem:$0x50D0] =	vst v1  }
0x1e: {  	[tilespmem:$0x50E0] =	vst v1  }
0x1f: {  	[tilespmem:$0x50F0] =	vst v1  }
0x20: {  	[tilespmem:$0x5100] =	vst v1  }
0x21: {  	[tilespmem:$0x5110] =	vst v1  }
0x22: {  	[tilespmem:$0x5120] =	vst v1  }
0x23: {  	[tilespmem:$0x5130] =	vst v1  }
0x24: {  	[tilespmem:$0x5140] =	vst v1  }
0x25: {  	[tilespmem:$0x5150] =	vst v1  }
0x26: {  	[tilespmem:$0x5160] =	vst v1  }
0x27: {  	[tilespmem:$0x5170] =	vst v1  }
0x28: {  	[tilespmem:$0x5180] =	vst v1  }
0x29: {  	[tilespmem:$0x5190] =	vst v1  }
0x2a: {  	[tilespmem:$0x51A0] =	vst v1  }
0x2b: {  	[tilespmem:$0x51B0] =	vst v1  }
0x2c: {  	[tilespmem:$0x51C0] =	vst v1  }
0x2d: {  	[tilespmem:$0x51D0] =	vst v1  }
0x2e: {  	[tilespmem:$0x51E0] =	vst v1  }
0x2f: {  	[tilespmem:$0x51F0] =	vst v1  }
0x30: {  	[tilespmem:$0x5200] =	vst v1  }
0x31: {  	[tilespmem:$0x5210] =	vst v1  }
0x32: {  	[tilespmem:$0x5220] =	vst v1  }
0x33: {  	[tilespmem:$0x5230] =	vst v1  }
0x34: {  	[tilespmem:$0x5240] =	vst v1  }
0x35: {  	[tilespmem:$0x5250] =	vst v1  }
0x36: {  	[tilespmem:$0x5260] =	vst v1  }
0x37: {  	[tilespmem:$0x5270] =	vst v1  }
0x38: {  	[tilespmem:$0x5280] =	vst v1  }
0x39: {  	[tilespmem:$0x5290] =	vst v1  }
0x3a: {  	[tilespmem:$0x52A0] =	vst v1  }
0x3b: {  	[tilespmem:$0x52B0] =	vst v1  }
0x3c: {  	[tilespmem:$0x52C0] =	vst v1  }
0x3d: {  	[tilespmem:$0x52D0] =	vst v1  }
0x3e: {  	[tilespmem:$0x52E0] =	vst v1  }
0x3f: {  	[tilespmem:$0x52F0] =	vst v1  }
0x40: {  	[spmem:s4] =	stream.linear.scatter [tilespmem:s8], [sflag:$0x1], $0x280, $0x38;
	[tilespmem:$0x5580] =	vst v63  }
0x41: {  	_ =	swait.ge [sflag:s9], $0x280  }
0x42: {  	[sflag:s9] =	ssyncset.done $0x0  }
0x43: {  	[sflag:s9] =	ssyncadd.s32 $0xFFFFFD80  }
0x44: {  	[bflag:$0x0] =	sbarrier.arrive $0xFFFF  }
0x45: {  	[tilespmem:s3], [sflag:$0x1] =	stream.linear.gather [hbm4b:s5+s3], $0x4F00, $0x38;
	[tilespmem:$0x5580] =	vst v63  }
0x46: {  	_ =	swait.ge [sflag:s9], $0x4F00  }
0x47: {  	[sflag:s9] =	ssyncset.done $0x0  }
0x48: {  	s17 =	simm.s32 $0x0;
	[sflag:s9] =	ssyncadd.s32 $0xFFFFB100  }
0x49: {  	[spmem:s2] =	stream.indirect.scatter.add.f32 [tilespmem:s11], [sflag:$0x1], $0x1, s17, s10, $0xb8;
	[tilespmem:$0x5580] =	vst v63  }
0x4a: {  	_ =	swait.ge [sflag:s9], $0x80  }
0x4b: {  	s17 =	simm.s32 $0x200;
	[sflag:s9] =	ssyncset.done $0x0  }
.LBB2_2:
0x4c: {  	s18 =	sshra.s32 s17, $0x2;
	[sflag:s9] =	ssyncadd.s32 $0xFFFFFF80;
	p0 =	sne.s32 s17, $0x13A00  }
0x4d: {  	[spmem:s2] =	stream.indirect.scatter.add.f32 [tilespmem:s11], [sflag:$0x1], $0x1, s18, s10, $0xb8;
	[tilespmem:$0x5580] =	vst v63  }
.Ltmp0:
0x4e: {  	_ = 	snop;
	(pc) =	sbr.rel @p0 .LBB2_2-.Ltmp0, $4  }
0x4f: {  	_ = 	snop  }
0x50: {  	s17 =	sadd.s32 $0x200, s17  }
0x51: {  	_ =	swait.ge [sflag:s9], $0x80  }
0x52: {  	[sflag:s9] =	ssyncset.done $0x0  }
0x53: {  	s16 =	sadd.s32 $0x1, s16  }
0x54: {  	[sflag:s9] =	ssyncadd.s32 $0xFFFFFF80;
	p0 =	sne.s32 s16, s7  }
.Ltmp1:
0x55: {  	[bflag:$0x0] =	sbarrier.arrive $0xFFFF;
	(pc) =	sbr.rel @p0 .LBB2_1-.Ltmp1, $4  }
0x56: {  	[hbm:s6@s14], [sflag:s12] =	dma.strided [spmem:s13@s15], $0x50, s9, $0x10   }
0x57: {  	_ =	swait.ge [sflag:s9], $0x50  }
0x58: {  	[sflag:s9] =	ssyncset.done $0x0  }
0x59: {  	[sflag:s9] =	ssyncadd.s32 $0xFFFFFFB0  }
0x5a: {  	_ =	sfence.sel $0x180000  }
0x5b: {  	[bflag:$0x0] =	sbarrier.arrive $0xFFFF  }
0x5c: {  	p0 =	sne.s32 s1, $0x0;
	_ =	strace $0x90000047  }
0x5d: {  	s0 =	sadd.s32 @!p0 $0x100000, s0;
	[bflag:$0x2] =	sbarrier.arrive $0xFFFF  }
0x5e: {  	[sflag:s0] =	ssyncadd.tile.s32 @!p0 $0x1;
	_ =	shalt  }
.Lfunc_end2:
_tile_overlayer_lowered:
.L_overlay_start_2:
0x5f: {  	(tag) =	ssettag $0x2  }
0x60: {  	s0 =	rddreg [dreg:$0x0];
	s2 =	stileid.u32  }
0x61: {  	s1 =	rddreg [dreg:$0x1];
	p0 =	sne.s32 s2, $0x0  }
0x62: {  	s3 =	rddreg [dreg:$0x2];
	[bflag:$0x3] =	sbarrier.arrive $0xFFFF;
	s2 =	simm.s32 @!p0 $0x1C01  }
0x63: {  	[timem:s3], [sflag:s2] =	dma.local @!p0 [hbm:s0], s1  }
0x64: {  	s0 =	simm.s32 @!p0 $0x1  }
0x65: {  	_ =	swait.ge @!p0 [sflag:s0], s1  }
0x66: {  	s1 =	ssub.s32 @!p0 $0x0, s1;
	[sflag:s0] =	ssyncset.done @!p0 $0x0  }
0x67: {  	[sflag:s0] =	ssyncadd.s32 @!p0 s1  }
0x68: {  	[bflag:$0x3] =	sbarrier.arrive $0xFFFF  }
0x69: {  	_ =	shalt  }

// kernel: kernel.9.cloned.1.call-start
scs
__scs_entry_jumppad:
0x0: {  	(pc) =	sbr.rel $0x88, $3  }
0x1: {  	(tag) =	ssettag $0x0;
	lr =	simm.s32 $0x1  }
0x2: {  	[smem:$0x3F9B] =	sst lr;
	_ =	strace $0xD0000000  }
0x3: {  	_ = 	snop  }
0x4: {  	_ = 	snop  }
0x5: {  	_ = 	snop  }
0x6: {  	_ = 	snop  }
0x7: {  	_ = 	snop  }
__scs_overlays_trampoline_lowered:
0x8: {  	[smem:$0x3FAA] =	sst s0  }
0x9: {  	[smem:$0x3FAB] =	sst s1  }
0xa: {  	[smem:$0x3FAC] =	sst s2  }
0xb: {  	[smem:$0x3FAD] =	sst s3  }
0xc: {  	[smem:$0x3FAE] =	sst s4  }
0xd: {  	[smem:$0x3FAF] =	sst s5  }
0xe: {  	[smem:$0x3FB0] =	sst s6  }
0xf: {  	[smem:$0x3FB1] =	sst s7  }
0x10: {  	[smem:$0x3FB2] =	sst s8  }
0x11: {  	[smem:$0x3FB3] =	sst s9;
	s0 =	simm.s32 @!p0 $0x0  }
0x12: {  	s1 =	sld [smem:$0x3F99];
	s0 =	simm.s32 @p0 $0x1  }
0x13: {  	[smem:$0x3FB4] =	sst s0;
	s0 =	simm.s32 @!p1 $0x0  }
0x14: {  	s2 =	sld [smem:$0x3F98];
	s0 =	simm.s32 @p1 $0x1  }
0x15: {  	[smem:$0x3FB5] =	sst s0;
	s0 =	simm.s32 @!p2 $0x0  }
0x16: {  	s3 =	sld [smem:$0x3FDB];
	s0 =	simm.s32 @p2 $0x1  }
0x17: {  	s4 =	simm.s32 $0x1BF5;
	[smem:$0x3FB7] =	sst s0  }
0x18: {  	s0 =	sld [smem:$0x3F9A];
	_ =	swait.ge [sflag:s4], $0x0  }
0x19: {  	s7 =	sld [smem:$0x3F9B]  }
0x1a: {  	s8 =	sadd.s32 $0xFFFFE003, lr  }
0x1b: {  	s9 =	sadd.s32 $0xFFFFFEF7, lr;
	s5 =	simm.s32 $0xFFFFFFFF;
	p2 =	slt.u32 s8, $0xFFFFF086  }
0x1c: {  	p1 =	slt.u32 s9, $0xF7A;
	s5 =	simm.s32 @!p2 $0x0  }
0x1d: {  	s5 =	simm.s32 @p1 $0x1;
	p0 =	seq.s32 s7, s2  }
0x1e: {  	s7 =	smul.u32 @!p0 $0xF7A, s2;
	p2 =	seq.s32 @!p0 s5, $0x0  }
0x1f: {  	s9 =	smul.u32 $0xF7A, s1;
	s8 =	simm.s32 @!p0 $0x1BF5;
	p2 =	por !p2, p0  }
0x20: {  	[sflag:s8] =	ssyncset.s32 @!p0 $0xFFFFF086;
	s6 =	sadd.s32 @!p0 s3, s7;
	s7 =	simm.s32 @!p0 $0x108  }
0x21: {  	s3 =	sadd.s32 s3, s9;
	s6 =	sadd.s32 @!p0 $0x88, s6;
	s7 =	simm.s32 @p2 $0x1082  }
0x22: {  	[simem:s7], [sflag:s8] =	dma.local @!p0 [hbm:s6], $0xF7A  }
0x23: {  	s9 =	sor.u32 $0xD0000000, s2;
	s6 =	simm.s32 $0x108;
	_ =	swait.ge @!p0 [sflag:s8], $0x0  }
0x24: {  	s3 =	sadd.s32 $0x88, s3;
	s6 =	simm.s32 @!p1 $0x1082;
	[sflag:s4] =	ssyncset.s32 $0xFFFFF086  }
0x25: {  	[simem:s6], [sflag:s4] =	dma.local [hbm:s3], $0xF7A  }
0x26: {  	[smem:$0x3F9B] =	sst s1;
	(tag) =	ssettag s2;
	_ =	strace s9  }
0x27: {  	s1 =	sld [smem:$0x3FAB]  }
0x28: {  	s2 =	sld [smem:$0x3FAC]  }
0x29: {  	s4 =	sld [smem:$0x3FAE]  }
0x2a: {  	p0 =	seq.s32 s5, $0x0;
	s5 =	sld [smem:$0x3FAF]  }
0x2b: {  	s6 =	sld [smem:$0x3FB0]  }
0x2c: {  	s7 =	sld [smem:$0x3FB1]  }
0x2d: {  	s3 =	simm.s32 $0x108;
	s8 =	sld [smem:$0x3FB2]  }
0x2e: {  	s3 =	simm.s32 @!p0 $0x1082;
	s9 =	sld [smem:$0x3FB3]  }
0x2f: {  	lr =	sadd.s32 s0, s3;
	s0 =	sld [smem:$0x3FAA]  }
0x30: {  	s3 =	sld [smem:$0x3FAD]  }
0x31: {  	[smem:$0x3FB6] =	sst s10  }
0x32: {  	s10 =	sld [smem:$0x3FB4];
	_ =	sdelay $0x3  }
0x33: {  	p0 =	seq.s32 s10, $0x1;
	s10 =	sld [smem:$0x3FB6];
	_ =	sdelay $0x3  }
0x34: {  	[smem:$0x3FB6] =	sst s10  }
0x35: {  	s10 =	sld [smem:$0x3FB5];
	_ =	sdelay $0x3  }
0x36: {  	p1 =	seq.s32 s10, $0x1;
	s10 =	sld [smem:$0x3FB6];
	_ =	sdelay $0x3  }
0x37: {  	[smem:$0x3FB6] =	sst s10  }
0x38: {  	s10 =	sld [smem:$0x3FB7]  }
0x39: {  	_ = 	snop;
	(pc) =	sbr.ind lr, $3  }
0x3a: {  	_ = 	snop  }
0x3b: {  	_ = 	snop  }
0x3c: {  	p2 =	seq.s32 s10, $0x1;
	s10 =	sld [smem:$0x3FB6]  }
0x3d: {  	_ =	shalt  }
0x3e: {  	_ =	shalt  }
0x3f: {  	_ =	shalt  }
0x40: {  	_ =	shalt  }
0x41: {  	_ =	shalt  }
0x42: {  	_ =	shalt  }
0x43: {  	_ =	shalt  }
0x44: {  	_ =	shalt  }
0x45: {  	_ =	shalt  }
0x46: {  	_ =	shalt  }
0x47: {  	_ =	shalt  }
0x48: {  	_ =	shalt  }
0x49: {  	_ =	shalt  }
0x4a: {  	_ =	shalt  }
0x4b: {  	_ =	shalt  }
0x4c: {  	_ =	shalt  }
0x4d: {  	_ =	shalt  }
0x4e: {  	_ =	shalt  }
0x4f: {  	_ =	shalt  }
0x50: {  	_ =	shalt  }
0x51: {  	_ =	shalt  }
0x52: {  	_ =	shalt  }
0x53: {  	_ =	shalt  }
0x54: {  	_ =	shalt  }
0x55: {  	_ =	shalt  }
0x56: {  	_ =	shalt  }
0x57: {  	_ =	shalt  }
0x58: {  	_ =	shalt  }
0x59: {  	_ =	shalt  }
0x5a: {  	_ =	shalt  }
0x5b: {  	_ =	shalt  }
0x5c: {  	_ =	shalt  }
0x5d: {  	_ =	shalt  }
0x5e: {  	_ =	shalt  }
0x5f: {  	_ =	shalt  }
0x60: {  	_ =	shalt  }
0x61: {  	_ =	shalt  }
0x62: {  	_ =	shalt  }
0x63: {  	_ =	shalt  }
0x64: {  	_ =	shalt  }
0x65: {  	_ =	shalt  }
0x66: {  	_ =	shalt  }
0x67: {  	_ =	shalt  }
0x68: {  	_ =	shalt  }
0x69: {  	_ =	shalt  }
0x6a: {  	_ =	shalt  }
0x6b: {  	_ =	shalt  }
0x6c: {  	_ =	shalt  }
0x6d: {  	_ =	shalt  }
0x6e: {  	_ =	shalt  }
0x6f: {  	_ =	shalt  }
0x70: {  	_ =	shalt  }
0x71: {  	_ =	shalt  }
0x72: {  	_ =	shalt  }
0x73: {  	_ =	shalt  }
0x74: {  	_ =	shalt  }
0x75: {  	_ =	shalt  }
0x76: {  	_ =	shalt  }
0x77: {  	_ =	shalt  }
0x78: {  	_ =	shalt  }
0x79: {  	_ =	shalt  }
0x7a: {  	_ =	shalt  }
0x7b: {  	_ =	shalt  }
0x7c: {  	_ =	shalt  }
0x7d: {  	_ =	shalt  }
0x7e: {  	_ =	shalt  }
0x7f: {  	_ =	shalt  }
0x80: {  	_ =	shalt  }
0x81: {  	_ =	shalt  }
0x82: {  	_ =	shalt  }
0x83: {  	_ =	shalt  }
0x84: {  	_ =	shalt  }
0x85: {  	_ =	shalt  }
0x86: {  	_ =	shalt  }
0x87: {  	_ =	shalt  }
.Lfunc_end0:
.L_simem_size_0:
called_computation.1_lowered:
.L_overlay_start_0:
0x88: {  	s2 =	sld [smem:$0x3FD9]  }
0x89: {  	s3 =	sld [smem:$0x3FFE];
	_ =	sdelay $0x1  }
0x8a: {  	s1 =	srdreg.scid  }
0x8b: {  	s0 =	sand.u32 $0x1, s1  }
0x8c: {  	s16 =	sshll.u32 s0, $0xA;
	s2 =	sadd.s32 s3, s2  }
0x8d: {  	s2 =	sadd.s32 s2, s16  }
0x8e: {  	[smem:$0x3FC2] =	sst s2  }
0x8f: {  	_ = 	snop  }
0x90: {  	(tm) =	ssettm $0x1  }
0x91: {  	s17 =	sld [smem:$0x3FFB];
	_ =	sdelay $0x3  }
0x92: {  	_ =	strace s17  }
0x93: {  	s2 =	sld [smem:$0x3FFC];
	_ =	sdelay $0x3  }
0x94: {  	_ =	strace s2  }
0x95: {  	s2 =	sld [smem:$0x3FFD];
	_ =	sdelay $0x3  }
0x96: {  	_ =	strace s2  }
0x97: {  	_ =	strace $0x8FFFFFFF  }
0x98: {  	s18 =	sld [smem:$0x3FDB];
	_ =	sdelay $0x1  }
0x99: {  	s19 =	simm.s32 $_scs_section_size  }
0x9a: {  	s4 =	simm.s32 $_size__tile_overlayer_lowered;
	s5 =	simm.s32 $_tile_overlayer_lowered  }
0x9b: {  	s22 =	simm.s32 $0x1BFF;
	s21 =	sshll.u32 s5, $0x1;
	s2 =	sadd.s32 s19, s18  }
0x9c: {  	s6 =	simm.s32 $0x0;
	s20 =	sshll.u32 s4, $0x1;
	s4 =	sadd.s32 s21, s2  }
0x9d: {  	[timem:s6], [sflag:s22] =	dma.local [hbm:s4], s20  }
0x9e: {  	_ =	swait.ge [sflag:s22], s20  }
0x9f: {  	s3 =	ssub.s32 $0x0, s20;
	[sflag:s22] =	ssyncset.done $0x0  }
0xa0: {  	[sflag:s22] =	ssyncadd.s32 s3;
	_ =	sdelay $0x1  }
0xa1: {  	s23 =	simm.s32 $0x1B8B  }
0xa2: {  	_ =	swait.ge [sflag:s23], $0x1  }
0xa3: {  	[sflag:s23] =	ssyncset.done $0x0  }
0xa4: {  	s25 =	simm.s32 $0x1B8E;
	s24 =	sld [smem:$0x3FFE];
	[sflag:s23] =	ssyncadd.s32 $0xFFFFFFFF  }
0xa5: {  	s26 =	simm.s32 $execute0_lowered;
	[smem:$0x3FD2] =	sst s25  }
0xa6: {  	s4 =	sshll.u32 s26, $0x1;
	_ =	strace $0x80000049;
	[dreg:$0x1] =	wrdreg $0xFFFFFFFF  }
0xa7: {  	s28 =	simm.s32 $_size_execute0_lowered;
	s2 =	sadd.s32 s2, s4;
	[dreg:$0x0] =	wrdreg $0x0  }
0xa8: {  	s4 =	sshll.u32 s28, $0x1;
	[dreg:$0x2] =	wrdreg s2  }
0xa9: {  	[dreg:$0x3] =	wrdreg s4  }
0xaa: {  	[dreg:$0x4] =	wrdreg $0xC0  }
0xab: {  	_ =	task [dreg:s6], $0x5FFFF  }
0xac: {  	[dreg:$0x1] =	wrdreg $0xFFFFFFFF  }
0xad: {  	[dreg:$0x0] =	wrdreg $0x60  }
0xae: {  	[dreg:$0x2] =	wrdreg s24  }
0xaf: {  	[dreg:$0x3] =	wrdreg $0x9F000  }
0xb0: {  	[dreg:$0x4] =	wrdreg $0x9  }
0xb1: {  	_ =	task.clear_ibuf [dreg:s6], $0x5FFFF;
	_ =	strace $0x90000049  }
0xb2: {  	s29 =	simm.s32 $0x9;
	_ =	strace $0x8000004B  }
0xb3: {  	_ =	swait.ge [sflag:s29], $0x1  }
0xb4: {  	[sflag:s29] =	ssyncadd.s32 $0xFFFFFFFF  }
0xb5: {  	_ =	strace $0x9000004B  }
0xb6: {  	_ =	sfence  }
0xb7: {  	s30 =	sld [smem:$0x0];
	_ =	sdelay $0x2  }
0xb8: {  	s31 =	sshll.u32 s1, $0xD;
	s1 =	sshrl.u32 s1, $0x2  }
0xb9: {  	s3 =	sand.u32 $0x4000, s31;
	s1 =	sadd.s32 s1, s30  }
0xba: {  	s0 =	sor.u32 s3, s0;
	s1 =	sshll.u32 s1, $0x11  }
0xbb: {  	s0 =	sor.u32 s1, s0  }
0xbc: {  	s0 =	sadd.s32 $0x8F2B, s0  }
0xbd: {  	[sflag:s0] =	ssyncadd.remote.s32 $0x1  }
0xbe: {  	_ =	sfence.sel $0xFFFF  }
0xbf: {  	[dreg:$0x0] =	wrdreg $0xFFFFFFFF;
	(pc) =	sbr.abs _section_cstart, $3  }
0xc0: {  	[dreg:$0x1] =	wrdreg $0xFFFFFFFF  }
0xc1: {  	_ =	task.clear_ibuf [dreg:s6], $0x2FFFF;
	_ =	strace $0x9FFFFFFF  }
0xc2: {  	(tm) =	ssettm $0x7FFFFFFF  }
0xc3: {  	_ =	shalt  }
tec
execute0_lowered:
.L_overlay_start_1:
0x0: {  	(tag) =	ssettag $0x1  }
0x1: {  	s0 =	rddreg [dreg:$0x0]  }
0x2: {  	s1 =	rddreg [dreg:$0x1];
	s11 =	stileid.u32  }
0x3: {  	s2 =	srdreg.scid;
	s6 =	smul.u32 $0x2800, s11  }
0x4: {  	s3 =	simm.s32 $0x0;
	s2 =	sand.u32 $0x1, s2;
	s10 =	smul.u32 $0x4F00, s11  }
0x5: {  	[smem:$0x7FF] =	sst s3;
	s7 =	sadd.s32 $0x15E00, s0;
	s17 =	smul.u32 $0x50000, s11  }
0x6: {  	s9 =	sadd.s32 $0x2200, s0;
	s4 =	sadd.s32 $0x51A00, s0;
	s5 =	smul.u32 $0x28000, s2  }
0x7: {  	_ =	strace $0x8000004A;
	s8 =	smul.u32 $0x4F000, s2;
	s2 =	ssub.s32 $0x2, s2  }
0x8: {  	s18 =	sshrl.u32 s2, $0x1;
	s19 =	sshrl.u32 s17, $0x2;
	s5 =	sadd.s32 s6, s5  }
0x9: {  	s8 =	sadd.s32 s10, s8;
	s2 =	ssub.s32 s2, s18;
	s0 =	sadd.s32 s5, s0  }
0xa: {  	s20 =	sshrl.u32 s8, $0x3;
	s5 =	sadd.s32 s19, s1;
	s24 =	smax.u32 s2, $0x1  }
0xb: {  	s2 =	simm.s32 $0x2;
	s8 =	sadd.s32 s7, s20;
	s21 =	sadd.s32 $0x4F0, s20  }
0xc: {  	s6 =	sadd.s32 s9, s20;
	s0 =	sadd.s32 $0xA1A00, s0;
	[dreg:$0x8] =	wrdreg s24  }
0xd: {  	s25 =	sadd.s32 $0x1000, s5;
	s26 =	sadd.s32 $0x2000, s5;
	s14 =	sadd.s32 $0x3000, s5  }
0xe: {  	s15 =	sadd.s32 $0x4000, s5;
	s16 =	sadd.s32 $0x5000, s5;
	s17 =	sadd.s32 $0x6000, s5  }
0xf: {  	s18 =	sadd.s32 $0x7000, s5;
	s19 =	sadd.s32 $0x8000, s5;
	[dreg:$0x3] =	wrdreg s8  }
0x10: {  	s20 =	sadd.s32 $0x9000, s5;
	s24 =	sadd.s32 $0xD000, s5;
	[dreg:$0x4] =	wrdreg s6  }
0x11: {  	s28 =	sadd.s32 $0x10000, s5;
	s29 =	sadd.s32 $0x11000, s5;
	[dreg:$0x7] =	wrdreg s0  }
0x12: {  	s30 =	sadd.s32 $0x12000, s5;
	s31 =	sadd.s32 $0x13000, s5;
	[dreg:$0x9] =	wrdreg s25  }
0x13: {  	s22 =	sadd.s32 s7, s21;
	s23 =	sadd.s32 s9, s21;
	[dreg:$0xa] =	wrdreg s26  }
0x14: {  	s21 =	sadd.s32 $0xA000, s5;
	s25 =	sadd.s32 $0xE000, s5;
	s26 =	sadd.s32 $0xF000, s5  }
0x15: {  	s0 =	simm.s32 $0x8F00;
	s6 =	simm.s32 $0x2780;
	s7 =	simm.s32 $0x80  }
0x16: {  	s8 =	simm.s32 $0x4F00;
	s9 =	simm.s32 $0x1;
	[dreg:$0x5] =	wrdreg s22  }
0x17: {  	v0 =	vimm.f32 $0.0e+00;
	[dreg:$0x6] =	wrdreg s23;
	s22 =	sadd.s32 $0xB000, s5;
	s23 =	sadd.s32 $0xC000, s5  }
.LBB2_1:
0x18: {  	s10 =	simm.s32 $0x0;
	s11 =	simm.s32 $0x200  }
.LBB2_2:
0x19: {  	p0 =	sne.s32 s11, $0x3E00;
	[tilespmem:s10+$0x8F70] =	vst v0  }
0x1a: {  	[tilespmem:s10+$0x8F00] =	vst v0  }
0x1b: {  	[tilespmem:s10+$0x8F10] =	vst v0  }
.Ltmp0:
0x1c: {  	[tilespmem:s10+$0x8F20] =	vst v0;
	(pc) =	sbr.rel @p0 .LBB2_2-.Ltmp0, $4  }
0x1d: {  	[tilespmem:s10+$0x8F30] =	vst v0  }
0x1e: {  	[tilespmem:s10+$0x8F40] =	vst v0  }
0x1f: {  	[tilespmem:s10+$0x8F50] =	vst v0  }
0x20: {  	[tilespmem:s10+$0x8F60] =	vst v0;
	s10 =	sshra.s32 s11, $0x2;
	s11 =	sadd.s32 $0x200, s11  }
0x21: {  	[tilespmem:s10+$0x8F70] =	vst v0  }
0x22: {  	[tilespmem:s10+$0x8F00] =	vst v0  }
0x23: {  	[tilespmem:s10+$0x8F10] =	vst v0  }
0x24: {  	[tilespmem:s10+$0x8F20] =	vst v0  }
0x25: {  	[tilespmem:s10+$0x8F30] =	vst v0  }
0x26: {  	[tilespmem:s10+$0x8F40] =	vst v0  }
0x27: {  	[tilespmem:s10+$0x8F50] =	vst v0  }
0x28: {  	[tilespmem:s10+$0x8F60] =	vst v0  }
0x29: {  	[spmem:s5] =	stream.linear.scatter [tilespmem:s0], [sflag:$0x2], $0x1000, $0x38;
	[tilespmem:$0x1DF00] =	vst v63  }
0x2a: {  	_ =	swait.ge [sflag:s2], $0x1000  }
0x2b: {  	[sflag:s2] =	ssyncset.done $0x0  }
0x2c: {  	s13 =	rddreg [dreg:$0x9];
	[sflag:s2] =	ssyncadd.s32 $0xFFFFF000  }
0x2d: {  	[spmem:s13] =	stream.linear.scatter [tilespmem:s0], [sflag:$0x2], $0x1000, $0x38;
	[tilespmem:$0x1DF00] =	vst v63  }
0x2e: {  	_ =	swait.ge [sflag:s2], $0x1000  }
0x2f: {  	[sflag:s2] =	ssyncset.done $0x0  }
0x30: {  	s11 =	rddreg [dreg:$0xa];
	[sflag:s2] =	ssyncadd.s32 $0xFFFFF000  }
0x31: {  	[spmem:s11] =	stream.linear.scatter [tilespmem:s0], [sflag:$0x2], $0x1000, $0x38;
	[tilespmem:$0x1DF00] =	vst v63  }
0x32: {  	_ =	swait.ge [sflag:s2], $0x1000  }
0x33: {  	[sflag:s2] =	ssyncset.done $0x0  }
0x34: {  	[sflag:s2] =	ssyncadd.s32 $0xFFFFF000  }
0x35: {  	[spmem:s14] =	stream.linear.scatter [tilespmem:s0], [sflag:$0x2], $0x1000, $0x38;
	[tilespmem:$0x1DF00] =	vst v63  }
0x36: {  	_ =	swait.ge [sflag:s2], $0x1000  }
0x37: {  	[sflag:s2] =	ssyncset.done $0x0  }
0x38: {  	[sflag:s2] =	ssyncadd.s32 $0xFFFFF000  }
0x39: {  	[spmem:s15] =	stream.linear.scatter [tilespmem:s0], [sflag:$0x2], $0x1000, $0x38;
	[tilespmem:$0x1DF00] =	vst v63  }
0x3a: {  	_ =	swait.ge [sflag:s2], $0x1000  }
0x3b: {  	[sflag:s2] =	ssyncset.done $0x0  }
0x3c: {  	[sflag:s2] =	ssyncadd.s32 $0xFFFFF000  }
0x3d: {  	[spmem:s16] =	stream.linear.scatter [tilespmem:s0], [sflag:$0x2], $0x1000, $0x38;
	[tilespmem:$0x1DF00] =	vst v63  }
0x3e: {  	_ =	swait.ge [sflag:s2], $0x1000  }
0x3f: {  	[sflag:s2] =	ssyncset.done $0x0  }
0x40: {  	[sflag:s2] =	ssyncadd.s32 $0xFFFFF000  }
0x41: {  	[spmem:s17] =	stream.linear.scatter [tilespmem:s0], [sflag:$0x2], $0x1000, $0x38;
	[tilespmem:$0x1DF00] =	vst v63  }
0x42: {  	_ =	swait.ge [sflag:s2], $0x1000  }
0x43: {  	[sflag:s2] =	ssyncset.done $0x0  }
0x44: {  	[sflag:s2] =	ssyncadd.s32 $0xFFFFF000  }
0x45: {  	[spmem:s18] =	stream.linear.scatter [tilespmem:s0], [sflag:$0x2], $0x1000, $0x38;
	[tilespmem:$0x1DF00] =	vst v63  }
0x46: {  	_ =	swait.ge [sflag:s2], $0x1000  }
0x47: {  	[sflag:s2] =	ssyncset.done $0x0  }
0x48: {  	[sflag:s2] =	ssyncadd.s32 $0xFFFFF000  }
0x49: {  	[spmem:s19] =	stream.linear.scatter [tilespmem:s0], [sflag:$0x2], $0x1000, $0x38;
	[tilespmem:$0x1DF00] =	vst v63  }
0x4a: {  	_ =	swait.ge [sflag:s2], $0x1000  }
0x4b: {  	[sflag:s2] =	ssyncset.done $0x0  }
0x4c: {  	[sflag:s2] =	ssyncadd.s32 $0xFFFFF000  }
0x4d: {  	[spmem:s20] =	stream.linear.scatter [tilespmem:s0], [sflag:$0x2], $0x1000, $0x38;
	[tilespmem:$0x1DF00] =	vst v63  }
0x4e: {  	_ =	swait.ge [sflag:s2], $0x1000  }
0x4f: {  	[sflag:s2] =	ssyncset.done $0x0  }
0x50: {  	[sflag:s2] =	ssyncadd.s32 $0xFFFFF000  }
0x51: {  	[spmem:s21] =	stream.linear.scatter [tilespmem:s0], [sflag:$0x2], $0x1000, $0x38;
	[tilespmem:$0x1DF00] =	vst v63  }
0x52: {  	_ =	swait.ge [sflag:s2], $0x1000  }
0x53: {  	[sflag:s2] =	ssyncset.done $0x0  }
0x54: {  	[sflag:s2] =	ssyncadd.s32 $0xFFFFF000  }
0x55: {  	[spmem:s22] =	stream.linear.scatter [tilespmem:s0], [sflag:$0x2], $0x1000, $0x38;
	[tilespmem:$0x1DF00] =	vst v63  }
0x56: {  	_ =	swait.ge [sflag:s2], $0x1000  }
0x57: {  	[sflag:s2] =	ssyncset.done $0x0  }
0x58: {  	[sflag:s2] =	ssyncadd.s32 $0xFFFFF000  }
0x59: {  	[spmem:s23] =	stream.linear.scatter [tilespmem:s0], [sflag:$0x2], $0x1000, $0x38;
	[tilespmem:$0x1DF00] =	vst v63  }
0x5a: {  	_ =	swait.ge [sflag:s2], $0x1000  }
0x5b: {  	[sflag:s2] =	ssyncset.done $0x0  }
0x5c: {  	[sflag:s2] =	ssyncadd.s32 $0xFFFFF000  }
0x5d: {  	[spmem:s24] =	stream.linear.scatter [tilespmem:s0], [sflag:$0x2], $0x1000, $0x38;
	[tilespmem:$0x1DF00] =	vst v63  }
0x5e: {  	_ =	swait.ge [sflag:s2], $0x1000  }
0x5f: {  	[sflag:s2] =	ssyncset.done $0x0  }
0x60: {  	[sflag:s2] =	ssyncadd.s32 $0xFFFFF000  }
0x61: {  	[spmem:s25] =	stream.linear.scatter [tilespmem:s0], [sflag:$0x2], $0x1000, $0x38;
	[tilespmem:$0x1DF00] =	vst v63  }
0x62: {  	_ =	swait.ge [sflag:s2], $0x1000  }
0x63: {  	[sflag:s2] =	ssyncset.done $0x0  }
0x64: {  	[sflag:s2] =	ssyncadd.s32 $0xFFFFF000  }
0x65: {  	[spmem:s26] =	stream.linear.scatter [tilespmem:s0], [sflag:$0x2], $0x1000, $0x38;
	[tilespmem:$0x1DF00] =	vst v63  }
0x66: {  	_ =	swait.ge [sflag:s2], $0x1000  }
0x67: {  	[sflag:s2] =	ssyncset.done $0x0  }
0x68: {  	[sflag:s2] =	ssyncadd.s32 $0xFFFFF000  }
0x69: {  	[spmem:s28] =	stream.linear.scatter [tilespmem:s0], [sflag:$0x2], $0x1000, $0x38;
	[tilespmem:$0x1DF00] =	vst v63  }
0x6a: {  	_ =	swait.ge [sflag:s2], $0x1000  }
0x6b: {  	[sflag:s2] =	ssyncset.done $0x0  }
0x6c: {  	[sflag:s2] =	ssyncadd.s32 $0xFFFFF000  }
0x6d: {  	[spmem:s29] =	stream.linear.scatter [tilespmem:s0], [sflag:$0x2], $0x1000, $0x38;
	[tilespmem:$0x1DF00] =	vst v63  }
0x6e: {  	_ =	swait.ge [sflag:s2], $0x1000  }
0x6f: {  	[sflag:s2] =	ssyncset.done $0x0  }
0x70: {  	[sflag:s2] =	ssyncadd.s32 $0xFFFFF000  }
0x71: {  	[spmem:s30] =	stream.linear.scatter [tilespmem:s0], [sflag:$0x2], $0x1000, $0x38;
	[tilespmem:$0x1DF00] =	vst v63  }
0x72: {  	_ =	swait.ge [sflag:s2], $0x1000  }
0x73: {  	[sflag:s2] =	ssyncset.done $0x0  }
0x74: {  	[sflag:s2] =	ssyncadd.s32 $0xFFFFF000  }
0x75: {  	[spmem:s31] =	stream.linear.scatter [tilespmem:s0], [sflag:$0x2], $0x1000, $0x38;
	[tilespmem:$0x1DF00] =	vst v63  }
0x76: {  	_ =	swait.ge [sflag:s2], $0x1000  }
0x77: {  	[sflag:s2] =	ssyncset.done $0x0  }
0x78: {  	[sflag:s2] =	ssyncadd.s32 $0xFFFFF000  }
0x79: {  	[bflag:$0x0] =	sbarrier.arrive $0xFFFF  }
0x7a: {  	s12 =	simm.s32 $0x0;
	s11 =	rddreg [dreg:$0x3]  }
0x7b: {  	[tilespmem:s12], [sflag:$0x2] =	stream.linear.gather [hbm4b:s11+s12], $0x2780, $0x38;
	[tilespmem:$0x1DF00] =	vst v63  }
0x7c: {  	_ =	swait.ge [sflag:s2], $0x2780  }
0x7d: {  	[sflag:s2] =	ssyncset.done $0x0  }
0x7e: {  	s13 =	rddreg [dreg:$0x4];
	[sflag:s2] =	ssyncadd.s32 $0xFFFFD880  }
0x7f: {  	[tilespmem:s6], [sflag:$0x2] =	stream.linear.gather [hbm4b:s13+s12], $0x2780, $0x38;
	[tilespmem:$0x1DF00] =	vst v63  }
0x80: {  	_ =	swait.ge [sflag:s2], $0x2780  }
0x81: {  	[sflag:s2] =	ssyncset.done $0x0  }
0x82: {  	s12 =	simm.s32 $0x0;
	[sflag:s2] =	ssyncadd.s32 $0xFFFFD880  }
0x83: {  	[tilespmem:s8], [sflag:$0x1] =	stream.indirect.gather [hbm4b:s4+s7], $0x80, s12, s7, $0xb8;
	[tilespmem:$0x1DF00] =	vst v63  }
0x84: {  	_ =	swait.ge [sflag:s9], $0x4000  }
0x85: {  	[sflag:s9] =	ssyncset.done $0x0  }
0x86: {  	s13 =	simm.s32 $0x2780;
	[sflag:s9] =	ssyncadd.s32 $0xFFFFC000  }
0x87: {  	[spmem:s1] =	stream.indirect.scatter.add.f32 [tilespmem:s8], [sflag:$0x2], $0x80, s13, s7, $0xb8;
	[tilespmem:$0x1DF00] =	vst v63  }
0x88: {  	_ =	swait.ge [sflag:s2], $0x4000  }
0x89: {  	s10 =	simm.s32 $0x200;
	s11 =	simm.s32 $0x400;
	[sflag:s2] =	ssyncset.done $0x0  }
.LBB2_4:
0x8a: {  	s12 =	sshra.s32 s10, $0x2  }
0x8b: {  	[sflag:s2] =	ssyncadd.s32 $0xFFFFC000;
	s10 =	smov.u32 s11;
	s13 =	sadd.s32 $0x200, s11  }
0x8c: {  	[tilespmem:s8], [sflag:$0x1] =	stream.indirect.gather [hbm4b:s4+s7], $0x80, s12, s7, $0xb8;
	[tilespmem:$0x1DF00] =	vst v63  }
0x8d: {  	p0 =	sne.s32 s11, $0x9C00;
	_ =	swait.ge [sflag:s9], $0x4000  }
.Ltmp1:
0x8e: {  	[sflag:s9] =	ssyncset.done $0x0;
	(pc) =	sbr.rel @p0 .LBB2_4-.Ltmp1, $4  }
0x8f: {  	s11 =	sadd.s32 $0x2780, s12;
	[sflag:s9] =	ssyncadd.s32 $0xFFFFC000  }
0x90: {  	[spmem:s1] =	stream.indirect.scatter.add.f32 [tilespmem:s8], [sflag:$0x2], $0x80, s11, s7, $0xb8;
	[tilespmem:$0x1DF00] =	vst v63  }
0x91: {  	_ =	swait.ge [sflag:s2], $0x4000  }
0x92: {  	s11 =	smov.u32 s13;
	[sflag:s2] =	ssyncset.done $0x0  }
0x93: {  	s10 =	sshra.s32 s10, $0x2;
	[sflag:s2] =	ssyncadd.s32 $0xFFFFC000  }
0x94: {  	[tilespmem:s8], [sflag:$0x1] =	stream.indirect.gather [hbm4b:s4+s7], $0x80, s10, s7, $0xb8;
	[tilespmem:$0x1DF00] =	vst v63  }
0x95: {  	_ =	swait.ge [sflag:s9], $0x4000  }
0x96: {  	[sflag:s9] =	ssyncset.done $0x0  }
0x97: {  	s10 =	sadd.s32 $0x2780, s10;
	[sflag:s9] =	ssyncadd.s32 $0xFFFFC000  }
0x98: {  	[spmem:s1] =	stream.indirect.scatter.add.f32 [tilespmem:s8], [sflag:$0x2], $0x80, s10, s7, $0xb8;
	[tilespmem:$0x1DF00] =	vst v63  }
0x99: {  	_ =	swait.ge [sflag:s2], $0x4000  }
0x9a: {  	[sflag:s2] =	ssyncset.done $0x0  }
0x9b: {  	s12 =	simm.s32 $0x0;
	s11 =	rddreg [dreg:$0x5];
	[sflag:s2] =	ssyncadd.s32 $0xFFFFC000  }
0x9c: {  	[tilespmem:s12], [sflag:$0x2] =	stream.linear.gather [hbm4b:s11+s12], $0x2780, $0x38;
	[tilespmem:$0x1DF00] =	vst v63  }
0x9d: {  	_ =	swait.ge [sflag:s2], $0x2780  }
0x9e: {  	[sflag:s2] =	ssyncset.done $0x0  }
0x9f: {  	s13 =	rddreg [dreg:$0x6];
	[sflag:s2] =	ssyncadd.s32 $0xFFFFD880  }
0xa0: {  	[tilespmem:s6], [sflag:$0x2] =	stream.linear.gather [hbm4b:s13+s12], $0x2780, $0x38;
	[tilespmem:$0x1DF00] =	vst v63  }
0xa1: {  	_ =	swait.ge [sflag:s2], $0x2780  }
0xa2: {  	[sflag:s2] =	ssyncset.done $0x0  }
0xa3: {  	s12 =	simm.s32 $0x0;
	[sflag:s2] =	ssyncadd.s32 $0xFFFFD880  }
0xa4: {  	[tilespmem:s8], [sflag:$0x1] =	stream.indirect.gather [hbm4b:s4+s7], $0x80, s12, s7, $0xb8;
	[tilespmem:$0x1DF00] =	vst v63  }
0xa5: {  	_ =	swait.ge [sflag:s9], $0x4000  }
0xa6: {  	[sflag:s9] =	ssyncset.done $0x0  }
0xa7: {  	s13 =	simm.s32 $0x2780;
	[sflag:s9] =	ssyncadd.s32 $0xFFFFC000  }
0xa8: {  	[spmem:s1] =	stream.indirect.scatter.add.f32 [tilespmem:s8], [sflag:$0x2], $0x80, s13, s7, $0xb8;
	[tilespmem:$0x1DF00] =	vst v63  }
0xa9: {  	_ =	swait.ge [sflag:s2], $0x4000  }
0xaa: {  	s10 =	simm.s32 $0x200;
	s11 =	simm.s32 $0x400;
	[sflag:s2] =	ssyncset.done $0x0  }
.LBB2_6:
0xab: {  	s12 =	sshra.s32 s10, $0x2  }
0xac: {  	[sflag:s2] =	ssyncadd.s32 $0xFFFFC000;
	s10 =	smov.u32 s11;
	s13 =	sadd.s32 $0x200, s11  }
0xad: {  	[tilespmem:s8], [sflag:$0x1] =	stream.indirect.gather [hbm4b:s4+s7], $0x80, s12, s7, $0xb8;
	[tilespmem:$0x1DF00] =	vst v63  }
0xae: {  	p0 =	sne.s32 s11, $0x9C00;
	_ =	swait.ge [sflag:s9], $0x4000  }
.Ltmp2:
0xaf: {  	[sflag:s9] =	ssyncset.done $0x0;
	(pc) =	sbr.rel @p0 .LBB2_6-.Ltmp2, $4  }
0xb0: {  	s11 =	sadd.s32 $0x2780, s12;
	[sflag:s9] =	ssyncadd.s32 $0xFFFFC000  }
0xb1: {  	[spmem:s1] =	stream.indirect.scatter.add.f32 [tilespmem:s8], [sflag:$0x2], $0x80, s11, s7, $0xb8;
	[tilespmem:$0x1DF00] =	vst v63  }
0xb2: {  	_ =	swait.ge [sflag:s2], $0x4000  }
0xb3: {  	s11 =	smov.u32 s13;
	[sflag:s2] =	ssyncset.done $0x0  }
0xb4: {  	s10 =	sshra.s32 s10, $0x2;
	[sflag:s2] =	ssyncadd.s32 $0xFFFFC000  }
0xb5: {  	[tilespmem:s8], [sflag:$0x1] =	stream.indirect.gather [hbm4b:s4+s7], $0x80, s10, s7, $0xb8;
	[tilespmem:$0x1DF00] =	vst v63  }
0xb6: {  	_ =	swait.ge [sflag:s9], $0x4000  }
0xb7: {  	[sflag:s9] =	ssyncset.done $0x0  }
0xb8: {  	s10 =	sadd.s32 $0x2780, s10;
	[sflag:s9] =	ssyncadd.s32 $0xFFFFC000  }
0xb9: {  	[spmem:s1] =	stream.indirect.scatter.add.f32 [tilespmem:s8], [sflag:$0x2], $0x80, s10, s7, $0xb8;
	[tilespmem:$0x1DF00] =	vst v63  }
0xba: {  	_ =	swait.ge [sflag:s2], $0x4000  }
0xbb: {  	[sflag:s2] =	ssyncset.done $0x0  }
0xbc: {  	s12 =	stileid.u32;
	[sflag:s2] =	ssyncadd.s32 $0xFFFFC000  }
0xbd: {  	s10 =	sshll.u32 s12, $0x6;
	[bflag:$0x0] =	sbarrier.arrive $0xFFFF  }
0xbe: {  	s11 =	sshrl.u32 s5, $0x3;
	s10 =	sor.u32 $0x1C02, s10;
	s12 =	rddreg [dreg:$0x7]  }
0xbf: {  	[hbm:s12], [sflag:s10] =	dma.local [spmem:s11], $0x2800  }
0xc0: {  	_ =	swait.ge [sflag:s2], $0x2800  }
0xc1: {  	s3 =	sadd.s32 $0x1, s3;
	s13 =	rddreg [dreg:$0x8]  }
0xc2: {  	p0 =	sne.s32 s3, s13  }
.Ltmp3:
0xc3: {  	_ = 	snop;
	(pc) =	sbr.rel @p0 .LBB2_1-.Ltmp3, $3  }
0xc4: {  	_ =	sdelay $0x1  }
0xc5: {  	[sflag:s2] =	ssyncset.done $0x0  }
0xc6: {  	[sflag:s2] =	ssyncadd.s32 $0xFFFFD800  }
0xc7: {  	_ =	sfence.sel $0x180000  }
0xc8: {  	[bflag:$0x0] =	sbarrier.arrive $0xFFFF  }
0xc9: {  	_ =	strace $0x9000004A  }
0xca: {  	s0 =	stileid.u32;
	[bflag:$0x2] =	sbarrier.arrive $0xFFFF  }
0xcb: {  	p0 =	sne.s32 s0, $0x0;
	s0 =	rddreg [dreg:$0x2]  }
0xcc: {  	s0 =	sadd.s32 @!p0 $0x100000, s0  }
0xcd: {  	[sflag:s0] =	ssyncadd.tile.s32 @!p0 $0x1;
	_ =	shalt  }
.Lfunc_end2:
_tile_overlayer_lowered:
.L_overlay_start_2:
0xce: {  	(tag) =	ssettag $0x2  }
0xcf: {  	s0 =	rddreg [dreg:$0x0];
	s2 =	stileid.u32  }
0xd0: {  	s1 =	rddreg [dreg:$0x1];
	p0 =	sne.s32 s2, $0x0  }
0xd1: {  	s3 =	rddreg [dreg:$0x2];
	[bflag:$0x3] =	sbarrier.arrive $0xFFFF;
	s2 =	simm.s32 @!p0 $0x1C02  }
0xd2: {  	[timem:s3], [sflag:s2] =	dma.local @!p0 [hbm:s0], s1  }
0xd3: {  	s0 =	simm.s32 @!p0 $0x2  }
0xd4: {  	_ =	swait.ge @!p0 [sflag:s0], s1  }
0xd5: {  	s1 =	ssub.s32 @!p0 $0x0, s1;
	[sflag:s0] =	ssyncset.done @!p0 $0x0  }
0xd6: {  	[sflag:s0] =	ssyncadd.s32 @!p0 s1  }
0xd7: {  	[bflag:$0x3] =	sbarrier.arrive $0xFFFF  }
0xd8: {  	_ =	shalt  }

</sc_bundles>
